<compile_context>
chip_gen: v7x
topology: tpu7x:2x2x1
jax: 0.10.2.dev20260603
libtpu: 0.0.44.dev20260713+nightly
codegen_flags: <defaults>
</compile_context>

<pallas_src>
import functools

import jax
import jax.numpy as jnp
from jax import lax
from jax.experimental import pallas as pl
from jax.experimental.pallas import tpu as pltpu
from jax.experimental.pallas import tpu_sc as plsc

_NC, _NS, _L = 2, 16, 16
_NW = _NC * _NS

_GDN = lax.GatherDimensionNumbers(
    offset_dims=(), collapsed_slice_dims=(0,), start_index_map=(0,)
)


def _lane_bcast(vec16, lane):
    idx = jnp.full((_L, 1), lane, jnp.int32)
    return lax.gather(
        vec16,
        idx,
        _GDN,
        (1,),
        mode=lax.GatherScatterMode.PROMISE_IN_BOUNDS,
    )


def _make_sc_combine(T, E, D):
    TPW = T // _NW
    C = 2
    NCH = TPW // C
    NPAIR = NCH // 2
    UNROLL = 4

    mesh = plsc.VectorSubcoreMesh(core_axis_name="c", subcore_axis_name="s")

    @functools.partial(
        pl.kernel,
        mesh=mesh,
        out_type=jax.ShapeDtypeStruct((T, D), jnp.float32),
        scratch_types=[
            pltpu.VMEM((TPW * E,), jnp.float32),
            pltpu.VMEM((C, E, D), jnp.float32),
            pltpu.VMEM((C, E, D), jnp.float32),
            pltpu.VMEM((C, D), jnp.float32),
            pltpu.VMEM((C, D), jnp.float32),
            pltpu.SemaphoreType.DMA,
            pltpu.SemaphoreType.DMA,
            pltpu.SemaphoreType.DMA,
            pltpu.SemaphoreType.DMA,
        ],
    )
    def sc_combine(
        x_hbm, w_hbm, out_hbm, w_v, x_v0, x_v1, o_v0, o_v1, si0, si1, so0, so1
    ):
        wid = lax.axis_index("s") * _NC + lax.axis_index("c")
        base = wid * TPW
        pltpu.sync_copy(w_hbm.at[pl.ds(base * E, TPW * E)], w_v)

        def compute_chunk(xb, ob, c):
            for cp in range(0, C, 2):
                wv16 = w_v[pl.ds((c * C + cp) * E, _L)]
                wvecs = [_lane_bcast(wv16, e) for e in range(2 * E)]

                @plsc.parallel_loop(0, D // _L, unroll=UNROLL)
                def dloop(db):
                    s = db * _L
                    for ct in (cp, cp + 1):
                        woff = (ct - cp) * E
                        acc = xb[ct, 0, pl.ds(s, _L)] * wvecs[woff]
                        for e in range(1, E):
                            acc = acc + xb[ct, e, pl.ds(s, _L)] * wvecs[woff + e]
                        ob[ct, pl.ds(s, _L)] = acc

        def in_slice(c):
            return x_hbm.at[pl.ds(base + c * C, C)]

        def out_slice(c):
            return out_hbm.at[pl.ds(base + c * C, C)]

        pltpu.async_copy(in_slice(0), x_v0, si0)

        def pair_body(j, carry):
            c0 = 2 * j
            c1 = c0 + 1
            pltpu.async_copy(in_slice(c1), x_v1, si1)
            pltpu.make_async_copy(in_slice(c0), x_v0, si0).wait()

            @pl.when(j > 0)
            def _():
                pltpu.make_async_copy(o_v0, out_slice(c0), so0).wait()

            compute_chunk(x_v0, o_v0, c0)

            @pl.when(j + 1 < NPAIR)
            def _():
                pltpu.async_copy(in_slice(c0 + 2), x_v0, si0)

            pltpu.async_copy(o_v0, out_slice(c0), so0)

            pltpu.make_async_copy(in_slice(c1), x_v1, si1).wait()

            @pl.when(j > 0)
            def _():
                pltpu.make_async_copy(o_v1, out_slice(c1), so1).wait()

            compute_chunk(x_v1, o_v1, c1)
            pltpu.async_copy(o_v1, out_slice(c1), so1)
            return carry

        lax.fori_loop(0, NPAIR, pair_body, 0)
        pltpu.make_async_copy(o_v0, out_slice(NCH - 2), so0).wait()
        pltpu.make_async_copy(o_v1, out_slice(NCH - 1), so1).wait()

    return sc_combine


def kernel(expert_outputs_TED, weights_TE):
    T, E, D = expert_outputs_TED.shape
    return _make_sc_combine(T, E, D)(
        expert_outputs_TED, weights_TE.reshape(T * E)
    )

# --- scband reference (transcript-rebuilt; emitter-appended) ---
"""Pipeline reference for scband-combine-experts-352187318548 (READ-ONLY COPY).

The authoritative reference and input builder live on the scoring server;
editing this copy changes nothing except your own understanding.
"""

import jax, jax.numpy as jnp
import numpy as np

T, E, D = 8192, 8, 2048

def setup_inputs(seed: int = 0) -> dict:
    key = jax.random.key(seed)
    k1, k2 = jax.random.split(key)
    expert_outputs_TED = jax.random.normal(k1, (T, E, D), dtype=jnp.float32)
    weights_TE = jax.random.uniform(k2, (T, E), dtype=jnp.float32)
    return {"expert_outputs_TED": expert_outputs_TED, "weights_TE": weights_TE}

def reference(expert_outputs_TED, weights_TE):
    # CombineExperts: einsum 'TED,TE -> TD' with float32 accumulation,
    # then cast back to target dtype (float32 here).
    output_TD = jnp.einsum(
        'TED,TE->TD',
        expert_outputs_TED.astype(jnp.float32),
        weights_TE.astype(jnp.float32),
        precision='float32',
    )
    return output_TD.astype(jnp.float32)

if __name__ == "__main__":
    import jax
    _d = setup_inputs()
    print(jax.jit(kernel)(*tuple(_d.values())))

</pallas_src>

<mosaic_0001>
#map = affine_map<(d0, d1) -> (0, 0, 0)>
#map1 = affine_map<(d0, d1) -> (0)>
#map2 = affine_map<(d0, d1) -> (0, 0)>
module attributes {stable_mosaic.version = 14 : i64} {
  func.func @sc_combine(%arg0: i32, %arg1: i32, %arg2: memref<8192x8x2048xf32, #tpu.memory_space<hbm>>, %arg3: memref<65536xf32, #tpu.memory_space<hbm>>, %arg4: memref<8192x2048xf32, #tpu.memory_space<hbm>>, %arg5: memref<2048xf32, #tpu.memory_space<vmem>>, %arg6: memref<2x8x2048xf32, #tpu.memory_space<vmem>>, %arg7: memref<2x8x2048xf32, #tpu.memory_space<vmem>>, %arg8: memref<2x2048xf32, #tpu.memory_space<vmem>>, %arg9: memref<2x2048xf32, #tpu.memory_space<vmem>>, %arg10: memref<!tpu.dma_semaphore, #tpu.memory_space<semaphore_mem>>, %arg11: memref<!tpu.dma_semaphore, #tpu.memory_space<semaphore_mem>>, %arg12: memref<!tpu.dma_semaphore, #tpu.memory_space<semaphore_mem>>, %arg13: memref<!tpu.dma_semaphore, #tpu.memory_space<semaphore_mem>>) attributes {dimension_semantics = [#tpu.dimension_semantics<core_parallel>, #tpu.dimension_semantics<subcore_parallel>], iteration_bounds = array<i64: 2, 16>, scalar_prefetch = 0 : i64, scratch_operands = 9 : i64, tpu.core_type = #tpu.core_type<sc_vector_subcore>, window_params = [{transform_indices = #map}, {transform_indices = #map1}, {transform_indices = #map2}]} {
    %mul3A = arith.constant 2 : i32
    %mul3A_0 = arith.muli %arg1, %mul3A : i32
    %add3A = arith.addi %mul3A_0, %arg0 : i32
    %mul3A_1 = arith.constant 256 : i32
    %mul3A_2 = arith.muli %add3A, %mul3A_1 : i32
    %mul3A_3 = arith.constant 8 : i32
    %mul3A_4 = arith.muli %mul3A_2, %mul3A_3 : i32
    "tpu.region"() ({
      %run_scoped3A = tpu.sem_alloc : memref<!tpu.dma_semaphore, #tpu.memory_space<semaphore_mem>>
      %dma_start3A_28 = tpu.memref_slice %arg3[%mul3A_4] : memref<65536xf32, #tpu.memory_space<hbm>> -> memref<2048xf32, #tpu.memory_space<hbm>>
      %dma_start3A_29 = tpu.memref_slice %arg3[%mul3A_4] : memref<65536xf32, #tpu.memory_space<hbm>> -> memref<2048xf32, #tpu.memory_space<hbm>>
      tpu.enqueue_dma source(%dma_start3A_29 : memref<2048xf32, #tpu.memory_space<hbm>>) target(%arg5 : memref<2048xf32, #tpu.memory_space<vmem>>) target_semaphore(%run_scoped3A : memref<!tpu.dma_semaphore, #tpu.memory_space<semaphore_mem>>)
      %dma_wait3A_30 = tpu.memref_slice %arg3[%mul3A_4] : memref<65536xf32, #tpu.memory_space<hbm>> -> memref<2048xf32, #tpu.memory_space<hbm>>
      %dma_wait3A_31 = tpu.memref_slice %arg3[%mul3A_4] : memref<65536xf32, #tpu.memory_space<hbm>> -> memref<2048xf32, #tpu.memory_space<hbm>>
      tpu.wait_dma2 semaphore(%run_scoped3A : memref<!tpu.dma_semaphore, #tpu.memory_space<semaphore_mem>>) src(%dma_wait3A_31 : memref<2048xf32, #tpu.memory_space<hbm>>) dst(%arg5 : memref<2048xf32, #tpu.memory_space<vmem>>)
      tpu.yield
    }) : () -> ()
    %add3A_5 = arith.constant 0 : i32
    %add3A_6 = arith.addi %mul3A_2, %add3A_5 : i32
    %dma_start3A = arith.constant 0 : i32
    %dma_start3A_7 = arith.constant 0 : i32
    %dma_start3A_8 = tpu.memref_slice %arg2[%add3A_6, %dma_start3A, %dma_start3A_7] : memref<8192x8x2048xf32, #tpu.memory_space<hbm>> -> memref<2x8x2048xf32, #tpu.memory_space<hbm>>
    %dma_start3A_9 = arith.constant 0 : i32
    %dma_start3A_10 = arith.constant 0 : i32
    %dma_start3A_11 = tpu.memref_slice %arg2[%add3A_6, %dma_start3A_9, %dma_start3A_10] : memref<8192x8x2048xf32, #tpu.memory_space<hbm>> -> memref<2x8x2048xf32, #tpu.memory_space<hbm>>
    tpu.enqueue_dma source(%dma_start3A_11 : memref<2x8x2048xf32, #tpu.memory_space<hbm>>) target(%arg6 : memref<2x8x2048xf32, #tpu.memory_space<vmem>>) target_semaphore(%arg10 : memref<!tpu.dma_semaphore, #tpu.memory_space<semaphore_mem>>)
    %scan3A = arith.constant 0 : i32
    %scan3A_12 = arith.constant 0 : i32
    %scan3A_13 = arith.constant 64 : i32
    %scan3A_14 = arith.addi %scan3A_12, %scan3A_13 : i32
    %scan3A_15 = arith.constant 1 : i32
    scf.for %scan3A_28 = %scan3A_12 to %scan3A_14 step %scan3A_15  : i32 {
      %mul3A_29 = arith.constant 2 : i32
      %mul3A_30 = arith.muli %mul3A_29, %scan3A_28 : i32
      %add3A_31 = arith.constant 1 : i32
      %add3A_32 = arith.addi %mul3A_30, %add3A_31 : i32
      %mul3A_33 = arith.constant 2 : i32
      %mul3A_34 = arith.muli %add3A_32, %mul3A_33 : i32
      %add3A_35 = arith.addi %mul3A_2, %mul3A_34 : i32
      %dma_start3A_36 = arith.constant 0 : i32
      %dma_start3A_37 = arith.constant 0 : i32
      %dma_start3A_38 = tpu.memref_slice %arg2[%add3A_35, %dma_start3A_36, %dma_start3A_37] : memref<8192x8x2048xf32, #tpu.memory_space<hbm>> -> memref<2x8x2048xf32, #tpu.memory_space<hbm>>
      %dma_start3A_39 = arith.constant 0 : i32
      %dma_start3A_40 = arith.constant 0 : i32
      %dma_start3A_41 = tpu.memref_slice %arg2[%add3A_35, %dma_start3A_39, %dma_start3A_40] : memref<8192x8x2048xf32, #tpu.memory_space<hbm>> -> memref<2x8x2048xf32, #tpu.memory_space<hbm>>
      tpu.enqueue_dma source(%dma_start3A_41 : memref<2x8x2048xf32, #tpu.memory_space<hbm>>) target(%arg7 : memref<2x8x2048xf32, #tpu.memory_space<vmem>>) target_semaphore(%arg11 : memref<!tpu.dma_semaphore, #tpu.memory_space<semaphore_mem>>)
      %mul3A_42 = arith.constant 2 : i32
      %mul3A_43 = arith.muli %mul3A_30, %mul3A_42 : i32
      %add3A_44 = arith.addi %mul3A_2, %mul3A_43 : i32
      %dma_wait3A_45 = arith.constant 0 : i32
      %dma_wait3A_46 = arith.constant 0 : i32
      %dma_wait3A_47 = tpu.memref_slice %arg2[%add3A_44, %dma_wait3A_45, %dma_wait3A_46] : memref<8192x8x2048xf32, #tpu.memory_space<hbm>> -> memref<2x8x2048xf32, #tpu.memory_space<hbm>>
      %dma_wait3A_48 = arith.constant 0 : i32
      %dma_wait3A_49 = arith.constant 0 : i32
      %dma_wait3A_50 = tpu.memref_slice %arg2[%add3A_44, %dma_wait3A_48, %dma_wait3A_49] : memref<8192x8x2048xf32, #tpu.memory_space<hbm>> -> memref<2x8x2048xf32, #tpu.memory_space<hbm>>
      tpu.wait_dma2 semaphore(%arg10 : memref<!tpu.dma_semaphore, #tpu.memory_space<semaphore_mem>>) src(%dma_wait3A_50 : memref<2x8x2048xf32, #tpu.memory_space<hbm>>) dst(%arg6 : memref<2x8x2048xf32, #tpu.memory_space<vmem>>)
      %gt3A = arith.constant 0 : i32
      %gt3A_51 = arith.cmpi sgt, %scan3A_28, %gt3A : i32
      %convert_element_type3A = arith.extui %gt3A_51 : i1 to i32
      %cond3A = arith.constant 0 : i32
      %cond3A_52 = arith.cmpi ne, %convert_element_type3A, %cond3A : i32
      scf.if %cond3A_52 {
        %mul3A_235 = arith.constant 2 : i32
        %mul3A_236 = arith.muli %mul3A_30, %mul3A_235 : i32
        %add3A_237 = arith.addi %mul3A_2, %mul3A_236 : i32
        %dma_wait3A_238 = arith.constant 0 : i32
        %dma_wait3A_239 = tpu.memref_slice %arg4[%add3A_237, %dma_wait3A_238] : memref<8192x2048xf32, #tpu.memory_space<hbm>> -> memref<2x2048xf32, #tpu.memory_space<hbm>>
        %dma_wait3A_240 = arith.constant 0 : i32
        %dma_wait3A_241 = tpu.memref_slice %arg4[%add3A_237, %dma_wait3A_240] : memref<8192x2048xf32, #tpu.memory_space<hbm>> -> memref<2x2048xf32, #tpu.memory_space<hbm>>
        tpu.wait_dma2 semaphore(%arg12 : memref<!tpu.dma_semaphore, #tpu.memory_space<semaphore_mem>>) src(%arg8 : memref<2x2048xf32, #tpu.memory_space<vmem>>) dst(%dma_wait3A_241 : memref<2x2048xf32, #tpu.memory_space<hbm>>)
      } else {
      }
      %mul3A_53 = arith.constant 2 : i32
      %mul3A_54 = arith.muli %mul3A_30, %mul3A_53 : i32
      %add3A_55 = arith.constant 0 : i32
      %add3A_56 = arith.addi %mul3A_54, %add3A_55 : i32
      %mul3A_57 = arith.constant 8 : i32
      %mul3A_58 = arith.muli %add3A_56, %mul3A_57 : i32
      %get3A = arith.index_cast %mul3A_58 : i32 to index
      %get3A_59 = tpu.vector_load %arg5[%get3A] {strides = array<i32>} : memref<2048xf32, #tpu.memory_space<vmem>>, vector<16xf32>,
      %get3A_60 = vector.shape_cast %get3A_59 : vector<16xf32> to vector<16xf32>
      %broadcast_in_dim3A = arith.constant 0 : i32
      %broadcast_in_dim3A_61 = vector.broadcast %broadcast_in_dim3A : i32 to vector<16x1xi32>
      %gather3A = vector.shape_cast %broadcast_in_dim3A_61 : vector<16x1xi32> to vector<16xi32>
      %gather3A_62 = tpu.dynamic_gather %get3A_60[%gather3A] in [0] : vector<16xf32>, vector<16xi32> -> vector<16xf32>
      %broadcast_in_dim3A_63 = arith.constant 1 : i32
      %broadcast_in_dim3A_64 = vector.broadcast %broadcast_in_dim3A_63 : i32 to vector<16x1xi32>
      %gather3A_65 = vector.shape_cast %broadcast_in_dim3A_64 : vector<16x1xi32> to vector<16xi32>
      %gather3A_66 = tpu.dynamic_gather %get3A_60[%gather3A_65] in [0] : vector<16xf32>, vector<16xi32> -> vector<16xf32>
      %broadcast_in_dim3A_67 = arith.constant 2 : i32
      %broadcast_in_dim3A_68 = vector.broadcast %broadcast_in_dim3A_67 : i32 to vector<16x1xi32>
      %gather3A_69 = vector.shape_cast %broadcast_in_dim3A_68 : vector<16x1xi32> to vector<16xi32>
      %gather3A_70 = tpu.dynamic_gather %get3A_60[%gather3A_69] in [0] : vector<16xf32>, vector<16xi32> -> vector<16xf32>
      %broadcast_in_dim3A_71 = arith.constant 3 : i32
      %broadcast_in_dim3A_72 = vector.broadcast %broadcast_in_dim3A_71 : i32 to vector<16x1xi32>
      %gather3A_73 = vector.shape_cast %broadcast_in_dim3A_72 : vector<16x1xi32> to vector<16xi32>
      %gather3A_74 = tpu.dynamic_gather %get3A_60[%gather3A_73] in [0] : vector<16xf32>, vector<16xi32> -> vector<16xf32>
      %broadcast_in_dim3A_75 = arith.constant 4 : i32
      %broadcast_in_dim3A_76 = vector.broadcast %broadcast_in_dim3A_75 : i32 to vector<16x1xi32>
      %gather3A_77 = vector.shape_cast %broadcast_in_dim3A_76 : vector<16x1xi32> to vector<16xi32>
      %gather3A_78 = tpu.dynamic_gather %get3A_60[%gather3A_77] in [0] : vector<16xf32>, vector<16xi32> -> vector<16xf32>
      %broadcast_in_dim3A_79 = arith.constant 5 : i32
      %broadcast_in_dim3A_80 = vector.broadcast %broadcast_in_dim3A_79 : i32 to vector<16x1xi32>
      %gather3A_81 = vector.shape_cast %broadcast_in_dim3A_80 : vector<16x1xi32> to vector<16xi32>
      %gather3A_82 = tpu.dynamic_gather %get3A_60[%gather3A_81] in [0] : vector<16xf32>, vector<16xi32> -> vector<16xf32>
      %broadcast_in_dim3A_83 = arith.constant 6 : i32
      %broadcast_in_dim3A_84 = vector.broadcast %broadcast_in_dim3A_83 : i32 to vector<16x1xi32>
      %gather3A_85 = vector.shape_cast %broadcast_in_dim3A_84 : vector<16x1xi32> to vector<16xi32>
      %gather3A_86 = tpu.dynamic_gather %get3A_60[%gather3A_85] in [0] : vector<16xf32>, vector<16xi32> -> vector<16xf32>
      %broadcast_in_dim3A_87 = arith.constant 7 : i32
      %broadcast_in_dim3A_88 = vector.broadcast %broadcast_in_dim3A_87 : i32 to vector<16x1xi32>
      %gather3A_89 = vector.shape_cast %broadcast_in_dim3A_88 : vector<16x1xi32> to vector<16xi32>
      %gather3A_90 = tpu.dynamic_gather %get3A_60[%gather3A_89] in [0] : vector<16xf32>, vector<16xi32> -> vector<16xf32>
      %broadcast_in_dim3A_91 = arith.constant 8 : i32
      %broadcast_in_dim3A_92 = vector.broadcast %broadcast_in_dim3A_91 : i32 to vector<16x1xi32>
      %gather3A_93 = vector.shape_cast %broadcast_in_dim3A_92 : vector<16x1xi32> to vector<16xi32>
      %gather3A_94 = tpu.dynamic_gather %get3A_60[%gather3A_93] in [0] : vector<16xf32>, vector<16xi32> -> vector<16xf32>
      %broadcast_in_dim3A_95 = arith.constant 9 : i32
      %broadcast_in_dim3A_96 = vector.broadcast %broadcast_in_dim3A_95 : i32 to vector<16x1xi32>
      %gather3A_97 = vector.shape_cast %broadcast_in_dim3A_96 : vector<16x1xi32> to vector<16xi32>
      %gather3A_98 = tpu.dynamic_gather %get3A_60[%gather3A_97] in [0] : vector<16xf32>, vector<16xi32> -> vector<16xf32>
      %broadcast_in_dim3A_99 = arith.constant 10 : i32
      %broadcast_in_dim3A_100 = vector.broadcast %broadcast_in_dim3A_99 : i32 to vector<16x1xi32>
      %gather3A_101 = vector.shape_cast %broadcast_in_dim3A_100 : vector<16x1xi32> to vector<16xi32>
      %gather3A_102 = tpu.dynamic_gather %get3A_60[%gather3A_101] in [0] : vector<16xf32>, vector<16xi32> -> vector<16xf32>
      %broadcast_in_dim3A_103 = arith.constant 11 : i32
      %broadcast_in_dim3A_104 = vector.broadcast %broadcast_in_dim3A_103 : i32 to vector<16x1xi32>
      %gather3A_105 = vector.shape_cast %broadcast_in_dim3A_104 : vector<16x1xi32> to vector<16xi32>
      %gather3A_106 = tpu.dynamic_gather %get3A_60[%gather3A_105] in [0] : vector<16xf32>, vector<16xi32> -> vector<16xf32>
      %broadcast_in_dim3A_107 = arith.constant 12 : i32
      %broadcast_in_dim3A_108 = vector.broadcast %broadcast_in_dim3A_107 : i32 to vector<16x1xi32>
      %gather3A_109 = vector.shape_cast %broadcast_in_dim3A_108 : vector<16x1xi32> to vector<16xi32>
      %gather3A_110 = tpu.dynamic_gather %get3A_60[%gather3A_109] in [0] : vector<16xf32>, vector<16xi32> -> vector<16xf32>
      %broadcast_in_dim3A_111 = arith.constant 13 : i32
      %broadcast_in_dim3A_112 = vector.broadcast %broadcast_in_dim3A_111 : i32 to vector<16x1xi32>
      %gather3A_113 = vector.shape_cast %broadcast_in_dim3A_112 : vector<16x1xi32> to vector<16xi32>
      %gather3A_114 = tpu.dynamic_gather %get3A_60[%gather3A_113] in [0] : vector<16xf32>, vector<16xi32> -> vector<16xf32>
      %broadcast_in_dim3A_115 = arith.constant 14 : i32
      %broadcast_in_dim3A_116 = vector.broadcast %broadcast_in_dim3A_115 : i32 to vector<16x1xi32>
      %gather3A_117 = vector.shape_cast %broadcast_in_dim3A_116 : vector<16x1xi32> to vector<16xi32>
      %gather3A_118 = tpu.dynamic_gather %get3A_60[%gather3A_117] in [0] : vector<16xf32>, vector<16xi32> -> vector<16xf32>
      %broadcast_in_dim3A_119 = arith.constant 15 : i32
      %broadcast_in_dim3A_120 = vector.broadcast %broadcast_in_dim3A_119 : i32 to vector<16x1xi32>
      %gather3A_121 = vector.shape_cast %broadcast_in_dim3A_120 : vector<16x1xi32> to vector<16xi32>
      %gather3A_122 = tpu.dynamic_gather %get3A_60[%gather3A_121] in [0] : vector<16xf32>, vector<16xi32> -> vector<16xf32>
      %parallel_loop3A = arith.constant 0 : i32
      %parallel_loop3A_123 = arith.constant 128 : i32
      %parallel_loop3A_124 = arith.constant 1 : i32
      scf.for %parallel_loop3A_235 = %parallel_loop3A to %parallel_loop3A_123 step %parallel_loop3A_124  : i32 {
        %parallel_loop3A_236 = arith.constant 16 : i32
        %parallel_loop3A_237 = arith.muli %parallel_loop3A_235, %parallel_loop3A_236 : i32
        %parallel_loop3A_238 = arith.constant 0 : i32
        %parallel_loop3A_239 = arith.constant 0 : i32
        %parallel_loop3A_240 = arith.index_cast %parallel_loop3A_238 : i32 to index
        %parallel_loop3A_241 = arith.index_cast %parallel_loop3A_239 : i32 to index
        %parallel_loop3A_242 = arith.index_cast %parallel_loop3A_237 : i32 to index
        %parallel_loop3A_243 = tpu.vector_load %arg6[%parallel_loop3A_240, %parallel_loop3A_241, %parallel_loop3A_242] {strides = array<i32>} : memref<2x8x2048xf32, #tpu.memory_space<vmem>>, vector<1x1x16xf32>,
        %parallel_loop3A_244 = vector.shape_cast %parallel_loop3A_243 : vector<1x1x16xf32> to vector<16xf32>
        %parallel_loop3A_245 = arith.mulf %parallel_loop3A_244, %gather3A_62 : vector<16xf32>
        %parallel_loop3A_246 = arith.constant 0 : i32
        %parallel_loop3A_247 = arith.constant 1 : i32
        %parallel_loop3A_248 = arith.index_cast %parallel_loop3A_246 : i32 to index
        %parallel_loop3A_249 = arith.index_cast %parallel_loop3A_247 : i32 to index
        %parallel_loop3A_250 = arith.index_cast %parallel_loop3A_237 : i32 to index
        %parallel_loop3A_251 = tpu.vector_load %arg6[%parallel_loop3A_248, %parallel_loop3A_249, %parallel_loop3A_250] {strides = array<i32>} : memref<2x8x2048xf32, #tpu.memory_space<vmem>>, vector<1x1x16xf32>,
        %parallel_loop3A_252 = vector.shape_cast %parallel_loop3A_251 : vector<1x1x16xf32> to vector<16xf32>
        %parallel_loop3A_253 = arith.mulf %parallel_loop3A_252, %gather3A_66 : vector<16xf32>
        %parallel_loop3A_254 = arith.addf %parallel_loop3A_245, %parallel_loop3A_253 : vector<16xf32>
        %parallel_loop3A_255 = arith.constant 0 : i32
        %parallel_loop3A_256 = arith.constant 2 : i32
        %parallel_loop3A_257 = arith.index_cast %parallel_loop3A_255 : i32 to index
        %parallel_loop3A_258 = arith.index_cast %parallel_loop3A_256 : i32 to index
        %parallel_loop3A_259 = arith.index_cast %parallel_loop3A_237 : i32 to index
        %parallel_loop3A_260 = tpu.vector_load %arg6[%parallel_loop3A_257, %parallel_loop3A_258, %parallel_loop3A_259] {strides = array<i32>} : memref<2x8x2048xf32, #tpu.memory_space<vmem>>, vector<1x1x16xf32>,
        %parallel_loop3A_261 = vector.shape_cast %parallel_loop3A_260 : vector<1x1x16xf32> to vector<16xf32>
        %parallel_loop3A_262 = arith.mulf %parallel_loop3A_261, %gather3A_70 : vector<16xf32>
        %parallel_loop3A_263 = arith.addf %parallel_loop3A_254, %parallel_loop3A_262 : vector<16xf32>
        %parallel_loop3A_264 = arith.constant 0 : i32
        %parallel_loop3A_265 = arith.constant 3 : i32
        %parallel_loop3A_266 = arith.index_cast %parallel_loop3A_264 : i32 to index
        %parallel_loop3A_267 = arith.index_cast %parallel_loop3A_265 : i32 to index
        %parallel_loop3A_268 = arith.index_cast %parallel_loop3A_237 : i32 to index
        %parallel_loop3A_269 = tpu.vector_load %arg6[%parallel_loop3A_266, %parallel_loop3A_267, %parallel_loop3A_268] {strides = array<i32>} : memref<2x8x2048xf32, #tpu.memory_space<vmem>>, vector<1x1x16xf32>,
        %parallel_loop3A_270 = vector.shape_cast %parallel_loop3A_269 : vector<1x1x16xf32> to vector<16xf32>
        %parallel_loop3A_271 = arith.mulf %parallel_loop3A_270, %gather3A_74 : vector<16xf32>
        %parallel_loop3A_272 = arith.addf %parallel_loop3A_263, %parallel_loop3A_271 : vector<16xf32>
        %parallel_loop3A_273 = arith.constant 0 : i32
        %parallel_loop3A_274 = arith.constant 4 : i32
        %parallel_loop3A_275 = arith.index_cast %parallel_loop3A_273 : i32 to index
        %parallel_loop3A_276 = arith.index_cast %parallel_loop3A_274 : i32 to index
        %parallel_loop3A_277 = arith.index_cast %parallel_loop3A_237 : i32 to index
        %parallel_loop3A_278 = tpu.vector_load %arg6[%parallel_loop3A_275, %parallel_loop3A_276, %parallel_loop3A_277] {strides = array<i32>} : memref<2x8x2048xf32, #tpu.memory_space<vmem>>, vector<1x1x16xf32>,
        %parallel_loop3A_279 = vector.shape_cast %parallel_loop3A_278 : vector<1x1x16xf32> to vector<16xf32>
        %parallel_loop3A_280 = arith.mulf %parallel_loop3A_279, %gather3A_78 : vector<16xf32>
        %parallel_loop3A_281 = arith.addf %parallel_loop3A_272, %parallel_loop3A_280 : vector<16xf32>
        %parallel_loop3A_282 = arith.constant 0 : i32
        %parallel_loop3A_283 = arith.constant 5 : i32
        %parallel_loop3A_284 = arith.index_cast %parallel_loop3A_282 : i32 to index
        %parallel_loop3A_285 = arith.index_cast %parallel_loop3A_283 : i32 to index
        %parallel_loop3A_286 = arith.index_cast %parallel_loop3A_237 : i32 to index
        %parallel_loop3A_287 = tpu.vector_load %arg6[%parallel_loop3A_284, %parallel_loop3A_285, %parallel_loop3A_286] {strides = array<i32>} : memref<2x8x2048xf32, #tpu.memory_space<vmem>>, vector<1x1x16xf32>,
        %parallel_loop3A_288 = vector.shape_cast %parallel_loop3A_287 : vector<1x1x16xf32> to vector<16xf32>
        %parallel_loop3A_289 = arith.mulf %parallel_loop3A_288, %gather3A_82 : vector<16xf32>
        %parallel_loop3A_290 = arith.addf %parallel_loop3A_281, %parallel_loop3A_289 : vector<16xf32>
        %parallel_loop3A_291 = arith.constant 0 : i32
        %parallel_loop3A_292 = arith.constant 6 : i32
        %parallel_loop3A_293 = arith.index_cast %parallel_loop3A_291 : i32 to index
        %parallel_loop3A_294 = arith.index_cast %parallel_loop3A_292 : i32 to index
        %parallel_loop3A_295 = arith.index_cast %parallel_loop3A_237 : i32 to index
        %parallel_loop3A_296 = tpu.vector_load %arg6[%parallel_loop3A_293, %parallel_loop3A_294, %parallel_loop3A_295] {strides = array<i32>} : memref<2x8x2048xf32, #tpu.memory_space<vmem>>, vector<1x1x16xf32>,
        %parallel_loop3A_297 = vector.shape_cast %parallel_loop3A_296 : vector<1x1x16xf32> to vector<16xf32>
        %parallel_loop3A_298 = arith.mulf %parallel_loop3A_297, %gather3A_86 : vector<16xf32>
        %parallel_loop3A_299 = arith.addf %parallel_loop3A_290, %parallel_loop3A_298 : vector<16xf32>
        %parallel_loop3A_300 = arith.constant 0 : i32
        %parallel_loop3A_301 = arith.constant 7 : i32
        %parallel_loop3A_302 = arith.index_cast %parallel_loop3A_300 : i32 to index
        %parallel_loop3A_303 = arith.index_cast %parallel_loop3A_301 : i32 to index
        %parallel_loop3A_304 = arith.index_cast %parallel_loop3A_237 : i32 to index
        %parallel_loop3A_305 = tpu.vector_load %arg6[%parallel_loop3A_302, %parallel_loop3A_303, %parallel_loop3A_304] {strides = array<i32>} : memref<2x8x2048xf32, #tpu.memory_space<vmem>>, vector<1x1x16xf32>,
        %parallel_loop3A_306 = vector.shape_cast %parallel_loop3A_305 : vector<1x1x16xf32> to vector<16xf32>
        %parallel_loop3A_307 = arith.mulf %parallel_loop3A_306, %gather3A_90 : vector<16xf32>
        %parallel_loop3A_308 = arith.addf %parallel_loop3A_299, %parallel_loop3A_307 : vector<16xf32>
        %parallel_loop3A_309 = arith.constant 0 : i32
        %parallel_loop3A_310 = arith.index_cast %parallel_loop3A_309 : i32 to index
        %parallel_loop3A_311 = arith.index_cast %parallel_loop3A_237 : i32 to index
        %parallel_loop3A_312 = tpu.vector_load %arg8[%parallel_loop3A_310, %parallel_loop3A_311] {strides = array<i32>} : memref<2x2048xf32, #tpu.memory_space<vmem>>, vector<1x16xf32>,
        %parallel_loop3A_313 = vector.shape_cast %parallel_loop3A_312 : vector<1x16xf32> to vector<16xf32>
        %parallel_loop3A_314 = vector.shape_cast %parallel_loop3A_308 : vector<16xf32> to vector<1x16xf32>
        tpu.vector_store %arg8[%parallel_loop3A_310, %parallel_loop3A_311], %parallel_loop3A_314 {strides = array<i32>} : memref<2x2048xf32, #tpu.memory_space<vmem>>, vector<1x16xf32>,
        %parallel_loop3A_315 = arith.constant 1 : i32
        %parallel_loop3A_316 = arith.constant 0 : i32
        %parallel_loop3A_317 = arith.index_cast %parallel_loop3A_315 : i32 to index
        %parallel_loop3A_318 = arith.index_cast %parallel_loop3A_316 : i32 to index
        %parallel_loop3A_319 = arith.index_cast %parallel_loop3A_237 : i32 to index
        %parallel_loop3A_320 = tpu.vector_load %arg6[%parallel_loop3A_317, %parallel_loop3A_318, %parallel_loop3A_319] {strides = array<i32>} : memref<2x8x2048xf32, #tpu.memory_space<vmem>>, vector<1x1x16xf32>,
        %parallel_loop3A_321 = vector.shape_cast %parallel_loop3A_320 : vector<1x1x16xf32> to vector<16xf32>
        %parallel_loop3A_322 = arith.mulf %parallel_loop3A_321, %gather3A_94 : vector<16xf32>
        %parallel_loop3A_323 = arith.constant 1 : i32
        %parallel_loop3A_324 = arith.constant 1 : i32
        %parallel_loop3A_325 = arith.index_cast %parallel_loop3A_323 : i32 to index
        %parallel_loop3A_326 = arith.index_cast %parallel_loop3A_324 : i32 to index
        %parallel_loop3A_327 = arith.index_cast %parallel_loop3A_237 : i32 to index
        %parallel_loop3A_328 = tpu.vector_load %arg6[%parallel_loop3A_325, %parallel_loop3A_326, %parallel_loop3A_327] {strides = array<i32>} : memref<2x8x2048xf32, #tpu.memory_space<vmem>>, vector<1x1x16xf32>,
        %parallel_loop3A_329 = vector.shape_cast %parallel_loop3A_328 : vector<1x1x16xf32> to vector<16xf32>
        %parallel_loop3A_330 = arith.mulf %parallel_loop3A_329, %gather3A_98 : vector<16xf32>
        %parallel_loop3A_331 = arith.addf %parallel_loop3A_322, %parallel_loop3A_330 : vector<16xf32>
        %parallel_loop3A_332 = arith.constant 1 : i32
        %parallel_loop3A_333 = arith.constant 2 : i32
        %parallel_loop3A_334 = arith.index_cast %parallel_loop3A_332 : i32 to index
        %parallel_loop3A_335 = arith.index_cast %parallel_loop3A_333 : i32 to index
        %parallel_loop3A_336 = arith.index_cast %parallel_loop3A_237 : i32 to index
        %parallel_loop3A_337 = tpu.vector_load %arg6[%parallel_loop3A_334, %parallel_loop3A_335, %parallel_loop3A_336] {strides = array<i32>} : memref<2x8x2048xf32, #tpu.memory_space<vmem>>, vector<1x1x16xf32>,
        %parallel_loop3A_338 = vector.shape_cast %parallel_loop3A_337 : vector<1x1x16xf32> to vector<16xf32>
        %parallel_loop3A_339 = arith.mulf %parallel_loop3A_338, %gather3A_102 : vector<16xf32>
        %parallel_loop3A_340 = arith.addf %parallel_loop3A_331, %parallel_loop3A_339 : vector<16xf32>
        %parallel_loop3A_341 = arith.constant 1 : i32
        %parallel_loop3A_342 = arith.constant 3 : i32
        %parallel_loop3A_343 = arith.index_cast %parallel_loop3A_341 : i32 to index
        %parallel_loop3A_344 = arith.index_cast %parallel_loop3A_342 : i32 to index
        %parallel_loop3A_345 = arith.index_cast %parallel_loop3A_237 : i32 to index
        %parallel_loop3A_346 = tpu.vector_load %arg6[%parallel_loop3A_343, %parallel_loop3A_344, %parallel_loop3A_345] {strides = array<i32>} : memref<2x8x2048xf32, #tpu.memory_space<vmem>>, vector<1x1x16xf32>,
        %parallel_loop3A_347 = vector.shape_cast %parallel_loop3A_346 : vector<1x1x16xf32> to vector<16xf32>
        %parallel_loop3A_348 = arith.mulf %parallel_loop3A_347, %gather3A_106 : vector<16xf32>
        %parallel_loop3A_349 = arith.addf %parallel_loop3A_340, %parallel_loop3A_348 : vector<16xf32>
        %parallel_loop3A_350 = arith.constant 1 : i32
        %parallel_loop3A_351 = arith.constant 4 : i32
        %parallel_loop3A_352 = arith.index_cast %parallel_loop3A_350 : i32 to index
        %parallel_loop3A_353 = arith.index_cast %parallel_loop3A_351 : i32 to index
        %parallel_loop3A_354 = arith.index_cast %parallel_loop3A_237 : i32 to index
        %parallel_loop3A_355 = tpu.vector_load %arg6[%parallel_loop3A_352, %parallel_loop3A_353, %parallel_loop3A_354] {strides = array<i32>} : memref<2x8x2048xf32, #tpu.memory_space<vmem>>, vector<1x1x16xf32>,
        %parallel_loop3A_356 = vector.shape_cast %parallel_loop3A_355 : vector<1x1x16xf32> to vector<16xf32>
        %parallel_loop3A_357 = arith.mulf %parallel_loop3A_356, %gather3A_110 : vector<16xf32>
        %parallel_loop3A_358 = arith.addf %parallel_loop3A_349, %parallel_loop3A_357 : vector<16xf32>
        %parallel_loop3A_359 = arith.constant 1 : i32
        %parallel_loop3A_360 = arith.constant 5 : i32
        %parallel_loop3A_361 = arith.index_cast %parallel_loop3A_359 : i32 to index
        %parallel_loop3A_362 = arith.index_cast %parallel_loop3A_360 : i32 to index
        %parallel_loop3A_363 = arith.index_cast %parallel_loop3A_237 : i32 to index
        %parallel_loop3A_364 = tpu.vector_load %arg6[%parallel_loop3A_361, %parallel_loop3A_362, %parallel_loop3A_363] {strides = array<i32>} : memref<2x8x2048xf32, #tpu.memory_space<vmem>>, vector<1x1x16xf32>,
        %parallel_loop3A_365 = vector.shape_cast %parallel_loop3A_364 : vector<1x1x16xf32> to vector<16xf32>
        %parallel_loop3A_366 = arith.mulf %parallel_loop3A_365, %gather3A_114 : vector<16xf32>
        %parallel_loop3A_367 = arith.addf %parallel_loop3A_358, %parallel_loop3A_366 : vector<16xf32>
        %parallel_loop3A_368 = arith.constant 1 : i32
        %parallel_loop3A_369 = arith.constant 6 : i32
        %parallel_loop3A_370 = arith.index_cast %parallel_loop3A_368 : i32 to index
        %parallel_loop3A_371 = arith.index_cast %parallel_loop3A_369 : i32 to index
        %parallel_loop3A_372 = arith.index_cast %parallel_loop3A_237 : i32 to index
        %parallel_loop3A_373 = tpu.vector_load %arg6[%parallel_loop3A_370, %parallel_loop3A_371, %parallel_loop3A_372] {strides = array<i32>} : memref<2x8x2048xf32, #tpu.memory_space<vmem>>, vector<1x1x16xf32>,
        %parallel_loop3A_374 = vector.shape_cast %parallel_loop3A_373 : vector<1x1x16xf32> to vector<16xf32>
        %parallel_loop3A_375 = arith.mulf %parallel_loop3A_374, %gather3A_118 : vector<16xf32>
        %parallel_loop3A_376 = arith.addf %parallel_loop3A_367, %parallel_loop3A_375 : vector<16xf32>
        %parallel_loop3A_377 = arith.constant 1 : i32
        %parallel_loop3A_378 = arith.constant 7 : i32
        %parallel_loop3A_379 = arith.index_cast %parallel_loop3A_377 : i32 to index
        %parallel_loop3A_380 = arith.index_cast %parallel_loop3A_378 : i32 to index
        %parallel_loop3A_381 = arith.index_cast %parallel_loop3A_237 : i32 to index
        %parallel_loop3A_382 = tpu.vector_load %arg6[%parallel_loop3A_379, %parallel_loop3A_380, %parallel_loop3A_381] {strides = array<i32>} : memref<2x8x2048xf32, #tpu.memory_space<vmem>>, vector<1x1x16xf32>,
        %parallel_loop3A_383 = vector.shape_cast %parallel_loop3A_382 : vector<1x1x16xf32> to vector<16xf32>
        %parallel_loop3A_384 = arith.mulf %parallel_loop3A_383, %gather3A_122 : vector<16xf32>
        %parallel_loop3A_385 = arith.addf %parallel_loop3A_376, %parallel_loop3A_384 : vector<16xf32>
        %parallel_loop3A_386 = arith.constant 1 : i32
        %parallel_loop3A_387 = arith.index_cast %parallel_loop3A_386 : i32 to index
        %parallel_loop3A_388 = arith.index_cast %parallel_loop3A_237 : i32 to index
        %parallel_loop3A_389 = tpu.vector_load %arg8[%parallel_loop3A_387, %parallel_loop3A_388] {strides = array<i32>} : memref<2x2048xf32, #tpu.memory_space<vmem>>, vector<1x16xf32>,
        %parallel_loop3A_390 = vector.shape_cast %parallel_loop3A_389 : vector<1x16xf32> to vector<16xf32>
        %parallel_loop3A_391 = vector.shape_cast %parallel_loop3A_385 : vector<16xf32> to vector<1x16xf32>
        tpu.vector_store %arg8[%parallel_loop3A_387, %parallel_loop3A_388], %parallel_loop3A_391 {strides = array<i32>} : memref<2x2048xf32, #tpu.memory_space<vmem>>, vector<1x16xf32>,
      } {sc.loop_unroll_factor = 4 : i64, sc.parallel_access}
      %add3A_125 = arith.constant 1 : i32
      %add3A_126 = arith.addi %scan3A_28, %add3A_125 : i32
      %lt3A = arith.constant 64 : i32
      %lt3A_127 = arith.cmpi slt, %add3A_126, %lt3A : i32
      %convert_element_type3A_128 = arith.extui %lt3A_127 : i1 to i32
      %cond3A_129 = arith.constant 0 : i32
      %cond3A_130 = arith.cmpi ne, %convert_element_type3A_128, %cond3A_129 : i32
      scf.if %cond3A_130 {
        %add3A_235 = arith.constant 2 : i32
        %add3A_236 = arith.addi %mul3A_30, %add3A_235 : i32
        %mul3A_237 = arith.constant 2 : i32
        %mul3A_238 = arith.muli %add3A_236, %mul3A_237 : i32
        %add3A_239 = arith.addi %mul3A_2, %mul3A_238 : i32
        %dma_start3A_240 = arith.constant 0 : i32
        %dma_start3A_241 = arith.constant 0 : i32
        %dma_start3A_242 = tpu.memref_slice %arg2[%add3A_239, %dma_start3A_240, %dma_start3A_241] : memref<8192x8x2048xf32, #tpu.memory_space<hbm>> -> memref<2x8x2048xf32, #tpu.memory_space<hbm>>
        %dma_start3A_243 = arith.constant 0 : i32
        %dma_start3A_244 = arith.constant 0 : i32
        %dma_start3A_245 = tpu.memref_slice %arg2[%add3A_239, %dma_start3A_243, %dma_start3A_244] : memref<8192x8x2048xf32, #tpu.memory_space<hbm>> -> memref<2x8x2048xf32, #tpu.memory_space<hbm>>
        tpu.enqueue_dma source(%dma_start3A_245 : memref<2x8x2048xf32, #tpu.memory_space<hbm>>) target(%arg6 : memref<2x8x2048xf32, #tpu.memory_space<vmem>>) target_semaphore(%arg10 : memref<!tpu.dma_semaphore, #tpu.memory_space<semaphore_mem>>)
      } else {
      }
      %mul3A_131 = arith.constant 2 : i32
      %mul3A_132 = arith.muli %mul3A_30, %mul3A_131 : i32
      %add3A_133 = arith.addi %mul3A_2, %mul3A_132 : i32
      %dma_start3A_134 = arith.constant 0 : i32
      %dma_start3A_135 = tpu.memref_slice %arg4[%add3A_133, %dma_start3A_134] : memref<8192x2048xf32, #tpu.memory_space<hbm>> -> memref<2x2048xf32, #tpu.memory_space<hbm>>
      %dma_start3A_136 = arith.constant 0 : i32
      %dma_start3A_137 = tpu.memref_slice %arg4[%add3A_133, %dma_start3A_136] : memref<8192x2048xf32, #tpu.memory_space<hbm>> -> memref<2x2048xf32, #tpu.memory_space<hbm>>
      tpu.enqueue_dma source(%arg8 : memref<2x2048xf32, #tpu.memory_space<vmem>>) target(%dma_start3A_137 : memref<2x2048xf32, #tpu.memory_space<hbm>>) target_semaphore(%arg12 : memref<!tpu.dma_semaphore, #tpu.memory_space<semaphore_mem>>)
      %mul3A_138 = arith.constant 2 : i32
      %mul3A_139 = arith.muli %add3A_32, %mul3A_138 : i32
      %add3A_140 = arith.addi %mul3A_2, %mul3A_139 : i32
      %dma_wait3A_141 = arith.constant 0 : i32
      %dma_wait3A_142 = arith.constant 0 : i32
      %dma_wait3A_143 = tpu.memref_slice %arg2[%add3A_140, %dma_wait3A_141, %dma_wait3A_142] : memref<8192x8x2048xf32, #tpu.memory_space<hbm>> -> memref<2x8x2048xf32, #tpu.memory_space<hbm>>
      %dma_wait3A_144 = arith.constant 0 : i32
      %dma_wait3A_145 = arith.constant 0 : i32
      %dma_wait3A_146 = tpu.memref_slice %arg2[%add3A_140, %dma_wait3A_144, %dma_wait3A_145] : memref<8192x8x2048xf32, #tpu.memory_space<hbm>> -> memref<2x8x2048xf32, #tpu.memory_space<hbm>>
      tpu.wait_dma2 semaphore(%arg11 : memref<!tpu.dma_semaphore, #tpu.memory_space<semaphore_mem>>) src(%dma_wait3A_146 : memref<2x8x2048xf32, #tpu.memory_space<hbm>>) dst(%arg7 : memref<2x8x2048xf32, #tpu.memory_space<vmem>>)
      %gt3A_147 = arith.constant 0 : i32
      %gt3A_148 = arith.cmpi sgt, %scan3A_28, %gt3A_147 : i32
      %convert_element_type3A_149 = arith.extui %gt3A_148 : i1 to i32
      %cond3A_150 = arith.constant 0 : i32
      %cond3A_151 = arith.cmpi ne, %convert_element_type3A_149, %cond3A_150 : i32
      scf.if %cond3A_151 {
        %mul3A_235 = arith.constant 2 : i32
        %mul3A_236 = arith.muli %add3A_32, %mul3A_235 : i32
        %add3A_237 = arith.addi %mul3A_2, %mul3A_236 : i32
        %dma_wait3A_238 = arith.constant 0 : i32
        %dma_wait3A_239 = tpu.memref_slice %arg4[%add3A_237, %dma_wait3A_238] : memref<8192x2048xf32, #tpu.memory_space<hbm>> -> memref<2x2048xf32, #tpu.memory_space<hbm>>
        %dma_wait3A_240 = arith.constant 0 : i32
        %dma_wait3A_241 = tpu.memref_slice %arg4[%add3A_237, %dma_wait3A_240] : memref<8192x2048xf32, #tpu.memory_space<hbm>> -> memref<2x2048xf32, #tpu.memory_space<hbm>>
        tpu.wait_dma2 semaphore(%arg13 : memref<!tpu.dma_semaphore, #tpu.memory_space<semaphore_mem>>) src(%arg9 : memref<2x2048xf32, #tpu.memory_space<vmem>>) dst(%dma_wait3A_241 : memref<2x2048xf32, #tpu.memory_space<hbm>>)
      } else {
      }
      %mul3A_152 = arith.constant 2 : i32
      %mul3A_153 = arith.muli %add3A_32, %mul3A_152 : i32
      %add3A_154 = arith.constant 0 : i32
      %add3A_155 = arith.addi %mul3A_153, %add3A_154 : i32
      %mul3A_156 = arith.constant 8 : i32
      %mul3A_157 = arith.muli %add3A_155, %mul3A_156 : i32
      %get3A_158 = arith.index_cast %mul3A_157 : i32 to index
      %get3A_159 = tpu.vector_load %arg5[%get3A_158] {strides = array<i32>} : memref<2048xf32, #tpu.memory_space<vmem>>, vector<16xf32>,
      %get3A_160 = vector.shape_cast %get3A_159 : vector<16xf32> to vector<16xf32>
      %broadcast_in_dim3A_161 = arith.constant 0 : i32
      %broadcast_in_dim3A_162 = vector.broadcast %broadcast_in_dim3A_161 : i32 to vector<16x1xi32>
      %gather3A_163 = vector.shape_cast %broadcast_in_dim3A_162 : vector<16x1xi32> to vector<16xi32>
      %gather3A_164 = tpu.dynamic_gather %get3A_160[%gather3A_163] in [0] : vector<16xf32>, vector<16xi32> -> vector<16xf32>
      %broadcast_in_dim3A_165 = arith.constant 1 : i32
      %broadcast_in_dim3A_166 = vector.broadcast %broadcast_in_dim3A_165 : i32 to vector<16x1xi32>
      %gather3A_167 = vector.shape_cast %broadcast_in_dim3A_166 : vector<16x1xi32> to vector<16xi32>
      %gather3A_168 = tpu.dynamic_gather %get3A_160[%gather3A_167] in [0] : vector<16xf32>, vector<16xi32> -> vector<16xf32>
      %broadcast_in_dim3A_169 = arith.constant 2 : i32
      %broadcast_in_dim3A_170 = vector.broadcast %broadcast_in_dim3A_169 : i32 to vector<16x1xi32>
      %gather3A_171 = vector.shape_cast %broadcast_in_dim3A_170 : vector<16x1xi32> to vector<16xi32>
      %gather3A_172 = tpu.dynamic_gather %get3A_160[%gather3A_171] in [0] : vector<16xf32>, vector<16xi32> -> vector<16xf32>
      %broadcast_in_dim3A_173 = arith.constant 3 : i32
      %broadcast_in_dim3A_174 = vector.broadcast %broadcast_in_dim3A_173 : i32 to vector<16x1xi32>
      %gather3A_175 = vector.shape_cast %broadcast_in_dim3A_174 : vector<16x1xi32> to vector<16xi32>
      %gather3A_176 = tpu.dynamic_gather %get3A_160[%gather3A_175] in [0] : vector<16xf32>, vector<16xi32> -> vector<16xf32>
      %broadcast_in_dim3A_177 = arith.constant 4 : i32
      %broadcast_in_dim3A_178 = vector.broadcast %broadcast_in_dim3A_177 : i32 to vector<16x1xi32>
      %gather3A_179 = vector.shape_cast %broadcast_in_dim3A_178 : vector<16x1xi32> to vector<16xi32>
      %gather3A_180 = tpu.dynamic_gather %get3A_160[%gather3A_179] in [0] : vector<16xf32>, vector<16xi32> -> vector<16xf32>
      %broadcast_in_dim3A_181 = arith.constant 5 : i32
      %broadcast_in_dim3A_182 = vector.broadcast %broadcast_in_dim3A_181 : i32 to vector<16x1xi32>
      %gather3A_183 = vector.shape_cast %broadcast_in_dim3A_182 : vector<16x1xi32> to vector<16xi32>
      %gather3A_184 = tpu.dynamic_gather %get3A_160[%gather3A_183] in [0] : vector<16xf32>, vector<16xi32> -> vector<16xf32>
      %broadcast_in_dim3A_185 = arith.constant 6 : i32
      %broadcast_in_dim3A_186 = vector.broadcast %broadcast_in_dim3A_185 : i32 to vector<16x1xi32>
      %gather3A_187 = vector.shape_cast %broadcast_in_dim3A_186 : vector<16x1xi32> to vector<16xi32>
      %gather3A_188 = tpu.dynamic_gather %get3A_160[%gather3A_187] in [0] : vector<16xf32>, vector<16xi32> -> vector<16xf32>
      %broadcast_in_dim3A_189 = arith.constant 7 : i32
      %broadcast_in_dim3A_190 = vector.broadcast %broadcast_in_dim3A_189 : i32 to vector<16x1xi32>
      %gather3A_191 = vector.shape_cast %broadcast_in_dim3A_190 : vector<16x1xi32> to vector<16xi32>
      %gather3A_192 = tpu.dynamic_gather %get3A_160[%gather3A_191] in [0] : vector<16xf32>, vector<16xi32> -> vector<16xf32>
      %broadcast_in_dim3A_193 = arith.constant 8 : i32
      %broadcast_in_dim3A_194 = vector.broadcast %broadcast_in_dim3A_193 : i32 to vector<16x1xi32>
      %gather3A_195 = vector.shape_cast %broadcast_in_dim3A_194 : vector<16x1xi32> to vector<16xi32>
      %gather3A_196 = tpu.dynamic_gather %get3A_160[%gather3A_195] in [0] : vector<16xf32>, vector<16xi32> -> vector<16xf32>
      %broadcast_in_dim3A_197 = arith.constant 9 : i32
      %broadcast_in_dim3A_198 = vector.broadcast %broadcast_in_dim3A_197 : i32 to vector<16x1xi32>
      %gather3A_199 = vector.shape_cast %broadcast_in_dim3A_198 : vector<16x1xi32> to vector<16xi32>
      %gather3A_200 = tpu.dynamic_gather %get3A_160[%gather3A_199] in [0] : vector<16xf32>, vector<16xi32> -> vector<16xf32>
      %broadcast_in_dim3A_201 = arith.constant 10 : i32
      %broadcast_in_dim3A_202 = vector.broadcast %broadcast_in_dim3A_201 : i32 to vector<16x1xi32>
      %gather3A_203 = vector.shape_cast %broadcast_in_dim3A_202 : vector<16x1xi32> to vector<16xi32>
      %gather3A_204 = tpu.dynamic_gather %get3A_160[%gather3A_203] in [0] : vector<16xf32>, vector<16xi32> -> vector<16xf32>
      %broadcast_in_dim3A_205 = arith.constant 11 : i32
      %broadcast_in_dim3A_206 = vector.broadcast %broadcast_in_dim3A_205 : i32 to vector<16x1xi32>
      %gather3A_207 = vector.shape_cast %broadcast_in_dim3A_206 : vector<16x1xi32> to vector<16xi32>
      %gather3A_208 = tpu.dynamic_gather %get3A_160[%gather3A_207] in [0] : vector<16xf32>, vector<16xi32> -> vector<16xf32>
      %broadcast_in_dim3A_209 = arith.constant 12 : i32
      %broadcast_in_dim3A_210 = vector.broadcast %broadcast_in_dim3A_209 : i32 to vector<16x1xi32>
      %gather3A_211 = vector.shape_cast %broadcast_in_dim3A_210 : vector<16x1xi32> to vector<16xi32>
      %gather3A_212 = tpu.dynamic_gather %get3A_160[%gather3A_211] in [0] : vector<16xf32>, vector<16xi32> -> vector<16xf32>
      %broadcast_in_dim3A_213 = arith.constant 13 : i32
      %broadcast_in_dim3A_214 = vector.broadcast %broadcast_in_dim3A_213 : i32 to vector<16x1xi32>
      %gather3A_215 = vector.shape_cast %broadcast_in_dim3A_214 : vector<16x1xi32> to vector<16xi32>
      %gather3A_216 = tpu.dynamic_gather %get3A_160[%gather3A_215] in [0] : vector<16xf32>, vector<16xi32> -> vector<16xf32>
      %broadcast_in_dim3A_217 = arith.constant 14 : i32
      %broadcast_in_dim3A_218 = vector.broadcast %broadcast_in_dim3A_217 : i32 to vector<16x1xi32>
      %gather3A_219 = vector.shape_cast %broadcast_in_dim3A_218 : vector<16x1xi32> to vector<16xi32>
      %gather3A_220 = tpu.dynamic_gather %get3A_160[%gather3A_219] in [0] : vector<16xf32>, vector<16xi32> -> vector<16xf32>
      %broadcast_in_dim3A_221 = arith.constant 15 : i32
      %broadcast_in_dim3A_222 = vector.broadcast %broadcast_in_dim3A_221 : i32 to vector<16x1xi32>
      %gather3A_223 = vector.shape_cast %broadcast_in_dim3A_222 : vector<16x1xi32> to vector<16xi32>
      %gather3A_224 = tpu.dynamic_gather %get3A_160[%gather3A_223] in [0] : vector<16xf32>, vector<16xi32> -> vector<16xf32>
      %parallel_loop3A_225 = arith.constant 0 : i32
      %parallel_loop3A_226 = arith.constant 128 : i32
      %parallel_loop3A_227 = arith.constant 1 : i32
      scf.for %parallel_loop3A_235 = %parallel_loop3A_225 to %parallel_loop3A_226 step %parallel_loop3A_227  : i32 {
        %parallel_loop3A_236 = arith.constant 16 : i32
        %parallel_loop3A_237 = arith.muli %parallel_loop3A_235, %parallel_loop3A_236 : i32
        %parallel_loop3A_238 = arith.constant 0 : i32
        %parallel_loop3A_239 = arith.constant 0 : i32
        %parallel_loop3A_240 = arith.index_cast %parallel_loop3A_238 : i32 to index
        %parallel_loop3A_241 = arith.index_cast %parallel_loop3A_239 : i32 to index
        %parallel_loop3A_242 = arith.index_cast %parallel_loop3A_237 : i32 to index
        %parallel_loop3A_243 = tpu.vector_load %arg7[%parallel_loop3A_240, %parallel_loop3A_241, %parallel_loop3A_242] {strides = array<i32>} : memref<2x8x2048xf32, #tpu.memory_space<vmem>>, vector<1x1x16xf32>,
        %parallel_loop3A_244 = vector.shape_cast %parallel_loop3A_243 : vector<1x1x16xf32> to vector<16xf32>
        %parallel_loop3A_245 = arith.mulf %parallel_loop3A_244, %gather3A_164 : vector<16xf32>
        %parallel_loop3A_246 = arith.constant 0 : i32
        %parallel_loop3A_247 = arith.constant 1 : i32
        %parallel_loop3A_248 = arith.index_cast %parallel_loop3A_246 : i32 to index
        %parallel_loop3A_249 = arith.index_cast %parallel_loop3A_247 : i32 to index
        %parallel_loop3A_250 = arith.index_cast %parallel_loop3A_237 : i32 to index
        %parallel_loop3A_251 = tpu.vector_load %arg7[%parallel_loop3A_248, %parallel_loop3A_249, %parallel_loop3A_250] {strides = array<i32>} : memref<2x8x2048xf32, #tpu.memory_space<vmem>>, vector<1x1x16xf32>,
        %parallel_loop3A_252 = vector.shape_cast %parallel_loop3A_251 : vector<1x1x16xf32> to vector<16xf32>
        %parallel_loop3A_253 = arith.mulf %parallel_loop3A_252, %gather3A_168 : vector<16xf32>
        %parallel_loop3A_254 = arith.addf %parallel_loop3A_245, %parallel_loop3A_253 : vector<16xf32>
        %parallel_loop3A_255 = arith.constant 0 : i32
        %parallel_loop3A_256 = arith.constant 2 : i32
        %parallel_loop3A_257 = arith.index_cast %parallel_loop3A_255 : i32 to index
        %parallel_loop3A_258 = arith.index_cast %parallel_loop3A_256 : i32 to index
        %parallel_loop3A_259 = arith.index_cast %parallel_loop3A_237 : i32 to index
        %parallel_loop3A_260 = tpu.vector_load %arg7[%parallel_loop3A_257, %parallel_loop3A_258, %parallel_loop3A_259] {strides = array<i32>} : memref<2x8x2048xf32, #tpu.memory_space<vmem>>, vector<1x1x16xf32>,
        %parallel_loop3A_261 = vector.shape_cast %parallel_loop3A_260 : vector<1x1x16xf32> to vector<16xf32>
        %parallel_loop3A_262 = arith.mulf %parallel_loop3A_261, %gather3A_172 : vector<16xf32>
        %parallel_loop3A_263 = arith.addf %parallel_loop3A_254, %parallel_loop3A_262 : vector<16xf32>
        %parallel_loop3A_264 = arith.constant 0 : i32
        %parallel_loop3A_265 = arith.constant 3 : i32
        %parallel_loop3A_266 = arith.index_cast %parallel_loop3A_264 : i32 to index
        %parallel_loop3A_267 = arith.index_cast %parallel_loop3A_265 : i32 to index
        %parallel_loop3A_268 = arith.index_cast %parallel_loop3A_237 : i32 to index
        %parallel_loop3A_269 = tpu.vector_load %arg7[%parallel_loop3A_266, %parallel_loop3A_267, %parallel_loop3A_268] {strides = array<i32>} : memref<2x8x2048xf32, #tpu.memory_space<vmem>>, vector<1x1x16xf32>,
        %parallel_loop3A_270 = vector.shape_cast %parallel_loop3A_269 : vector<1x1x16xf32> to vector<16xf32>
        %parallel_loop3A_271 = arith.mulf %parallel_loop3A_270, %gather3A_176 : vector<16xf32>
        %parallel_loop3A_272 = arith.addf %parallel_loop3A_263, %parallel_loop3A_271 : vector<16xf32>
        %parallel_loop3A_273 = arith.constant 0 : i32
        %parallel_loop3A_274 = arith.constant 4 : i32
        %parallel_loop3A_275 = arith.index_cast %parallel_loop3A_273 : i32 to index
        %parallel_loop3A_276 = arith.index_cast %parallel_loop3A_274 : i32 to index
        %parallel_loop3A_277 = arith.index_cast %parallel_loop3A_237 : i32 to index
        %parallel_loop3A_278 = tpu.vector_load %arg7[%parallel_loop3A_275, %parallel_loop3A_276, %parallel_loop3A_277] {strides = array<i32>} : memref<2x8x2048xf32, #tpu.memory_space<vmem>>, vector<1x1x16xf32>,
        %parallel_loop3A_279 = vector.shape_cast %parallel_loop3A_278 : vector<1x1x16xf32> to vector<16xf32>
        %parallel_loop3A_280 = arith.mulf %parallel_loop3A_279, %gather3A_180 : vector<16xf32>
        %parallel_loop3A_281 = arith.addf %parallel_loop3A_272, %parallel_loop3A_280 : vector<16xf32>
        %parallel_loop3A_282 = arith.constant 0 : i32
        %parallel_loop3A_283 = arith.constant 5 : i32
        %parallel_loop3A_284 = arith.index_cast %parallel_loop3A_282 : i32 to index
        %parallel_loop3A_285 = arith.index_cast %parallel_loop3A_283 : i32 to index
        %parallel_loop3A_286 = arith.index_cast %parallel_loop3A_237 : i32 to index
        %parallel_loop3A_287 = tpu.vector_load %arg7[%parallel_loop3A_284, %parallel_loop3A_285, %parallel_loop3A_286] {strides = array<i32>} : memref<2x8x2048xf32, #tpu.memory_space<vmem>>, vector<1x1x16xf32>,
        %parallel_loop3A_288 = vector.shape_cast %parallel_loop3A_287 : vector<1x1x16xf32> to vector<16xf32>
        %parallel_loop3A_289 = arith.mulf %parallel_loop3A_288, %gather3A_184 : vector<16xf32>
        %parallel_loop3A_290 = arith.addf %parallel_loop3A_281, %parallel_loop3A_289 : vector<16xf32>
        %parallel_loop3A_291 = arith.constant 0 : i32
        %parallel_loop3A_292 = arith.constant 6 : i32
        %parallel_loop3A_293 = arith.index_cast %parallel_loop3A_291 : i32 to index
        %parallel_loop3A_294 = arith.index_cast %parallel_loop3A_292 : i32 to index
        %parallel_loop3A_295 = arith.index_cast %parallel_loop3A_237 : i32 to index
        %parallel_loop3A_296 = tpu.vector_load %arg7[%parallel_loop3A_293, %parallel_loop3A_294, %parallel_loop3A_295] {strides = array<i32>} : memref<2x8x2048xf32, #tpu.memory_space<vmem>>, vector<1x1x16xf32>,
        %parallel_loop3A_297 = vector.shape_cast %parallel_loop3A_296 : vector<1x1x16xf32> to vector<16xf32>
        %parallel_loop3A_298 = arith.mulf %parallel_loop3A_297, %gather3A_188 : vector<16xf32>
        %parallel_loop3A_299 = arith.addf %parallel_loop3A_290, %parallel_loop3A_298 : vector<16xf32>
        %parallel_loop3A_300 = arith.constant 0 : i32
        %parallel_loop3A_301 = arith.constant 7 : i32
        %parallel_loop3A_302 = arith.index_cast %parallel_loop3A_300 : i32 to index
        %parallel_loop3A_303 = arith.index_cast %parallel_loop3A_301 : i32 to index
        %parallel_loop3A_304 = arith.index_cast %parallel_loop3A_237 : i32 to index
        %parallel_loop3A_305 = tpu.vector_load %arg7[%parallel_loop3A_302, %parallel_loop3A_303, %parallel_loop3A_304] {strides = array<i32>} : memref<2x8x2048xf32, #tpu.memory_space<vmem>>, vector<1x1x16xf32>,
        %parallel_loop3A_306 = vector.shape_cast %parallel_loop3A_305 : vector<1x1x16xf32> to vector<16xf32>
        %parallel_loop3A_307 = arith.mulf %parallel_loop3A_306, %gather3A_192 : vector<16xf32>
        %parallel_loop3A_308 = arith.addf %parallel_loop3A_299, %parallel_loop3A_307 : vector<16xf32>
        %parallel_loop3A_309 = arith.constant 0 : i32
        %parallel_loop3A_310 = arith.index_cast %parallel_loop3A_309 : i32 to index
        %parallel_loop3A_311 = arith.index_cast %parallel_loop3A_237 : i32 to index
        %parallel_loop3A_312 = tpu.vector_load %arg9[%parallel_loop3A_310, %parallel_loop3A_311] {strides = array<i32>} : memref<2x2048xf32, #tpu.memory_space<vmem>>, vector<1x16xf32>,
        %parallel_loop3A_313 = vector.shape_cast %parallel_loop3A_312 : vector<1x16xf32> to vector<16xf32>
        %parallel_loop3A_314 = vector.shape_cast %parallel_loop3A_308 : vector<16xf32> to vector<1x16xf32>
        tpu.vector_store %arg9[%parallel_loop3A_310, %parallel_loop3A_311], %parallel_loop3A_314 {strides = array<i32>} : memref<2x2048xf32, #tpu.memory_space<vmem>>, vector<1x16xf32>,
        %parallel_loop3A_315 = arith.constant 1 : i32
        %parallel_loop3A_316 = arith.constant 0 : i32
        %parallel_loop3A_317 = arith.index_cast %parallel_loop3A_315 : i32 to index
        %parallel_loop3A_318 = arith.index_cast %parallel_loop3A_316 : i32 to index
        %parallel_loop3A_319 = arith.index_cast %parallel_loop3A_237 : i32 to index
        %parallel_loop3A_320 = tpu.vector_load %arg7[%parallel_loop3A_317, %parallel_loop3A_318, %parallel_loop3A_319] {strides = array<i32>} : memref<2x8x2048xf32, #tpu.memory_space<vmem>>, vector<1x1x16xf32>,
        %parallel_loop3A_321 = vector.shape_cast %parallel_loop3A_320 : vector<1x1x16xf32> to vector<16xf32>
        %parallel_loop3A_322 = arith.mulf %parallel_loop3A_321, %gather3A_196 : vector<16xf32>
        %parallel_loop3A_323 = arith.constant 1 : i32
        %parallel_loop3A_324 = arith.constant 1 : i32
        %parallel_loop3A_325 = arith.index_cast %parallel_loop3A_323 : i32 to index
        %parallel_loop3A_326 = arith.index_cast %parallel_loop3A_324 : i32 to index
        %parallel_loop3A_327 = arith.index_cast %parallel_loop3A_237 : i32 to index
        %parallel_loop3A_328 = tpu.vector_load %arg7[%parallel_loop3A_325, %parallel_loop3A_326, %parallel_loop3A_327] {strides = array<i32>} : memref<2x8x2048xf32, #tpu.memory_space<vmem>>, vector<1x1x16xf32>,
        %parallel_loop3A_329 = vector.shape_cast %parallel_loop3A_328 : vector<1x1x16xf32> to vector<16xf32>
        %parallel_loop3A_330 = arith.mulf %parallel_loop3A_329, %gather3A_200 : vector<16xf32>
        %parallel_loop3A_331 = arith.addf %parallel_loop3A_322, %parallel_loop3A_330 : vector<16xf32>
        %parallel_loop3A_332 = arith.constant 1 : i32
        %parallel_loop3A_333 = arith.constant 2 : i32
        %parallel_loop3A_334 = arith.index_cast %parallel_loop3A_332 : i32 to index
        %parallel_loop3A_335 = arith.index_cast %parallel_loop3A_333 : i32 to index
        %parallel_loop3A_336 = arith.index_cast %parallel_loop3A_237 : i32 to index
        %parallel_loop3A_337 = tpu.vector_load %arg7[%parallel_loop3A_334, %parallel_loop3A_335, %parallel_loop3A_336] {strides = array<i32>} : memref<2x8x2048xf32, #tpu.memory_space<vmem>>, vector<1x1x16xf32>,
        %parallel_loop3A_338 = vector.shape_cast %parallel_loop3A_337 : vector<1x1x16xf32> to vector<16xf32>
        %parallel_loop3A_339 = arith.mulf %parallel_loop3A_338, %gather3A_204 : vector<16xf32>
        %parallel_loop3A_340 = arith.addf %parallel_loop3A_331, %parallel_loop3A_339 : vector<16xf32>
        %parallel_loop3A_341 = arith.constant 1 : i32
        %parallel_loop3A_342 = arith.constant 3 : i32
        %parallel_loop3A_343 = arith.index_cast %parallel_loop3A_341 : i32 to index
        %parallel_loop3A_344 = arith.index_cast %parallel_loop3A_342 : i32 to index
        %parallel_loop3A_345 = arith.index_cast %parallel_loop3A_237 : i32 to index
        %parallel_loop3A_346 = tpu.vector_load %arg7[%parallel_loop3A_343, %parallel_loop3A_344, %parallel_loop3A_345] {strides = array<i32>} : memref<2x8x2048xf32, #tpu.memory_space<vmem>>, vector<1x1x16xf32>,
        %parallel_loop3A_347 = vector.shape_cast %parallel_loop3A_346 : vector<1x1x16xf32> to vector<16xf32>
        %parallel_loop3A_348 = arith.mulf %parallel_loop3A_347, %gather3A_208 : vector<16xf32>
        %parallel_loop3A_349 = arith.addf %parallel_loop3A_340, %parallel_loop3A_348 : vector<16xf32>
        %parallel_loop3A_350 = arith.constant 1 : i32
        %parallel_loop3A_351 = arith.constant 4 : i32
        %parallel_loop3A_352 = arith.index_cast %parallel_loop3A_350 : i32 to index
        %parallel_loop3A_353 = arith.index_cast %parallel_loop3A_351 : i32 to index
        %parallel_loop3A_354 = arith.index_cast %parallel_loop3A_237 : i32 to index
        %parallel_loop3A_355 = tpu.vector_load %arg7[%parallel_loop3A_352, %parallel_loop3A_353, %parallel_loop3A_354] {strides = array<i32>} : memref<2x8x2048xf32, #tpu.memory_space<vmem>>, vector<1x1x16xf32>,
        %parallel_loop3A_356 = vector.shape_cast %parallel_loop3A_355 : vector<1x1x16xf32> to vector<16xf32>
        %parallel_loop3A_357 = arith.mulf %parallel_loop3A_356, %gather3A_212 : vector<16xf32>
        %parallel_loop3A_358 = arith.addf %parallel_loop3A_349, %parallel_loop3A_357 : vector<16xf32>
        %parallel_loop3A_359 = arith.constant 1 : i32
        %parallel_loop3A_360 = arith.constant 5 : i32
        %parallel_loop3A_361 = arith.index_cast %parallel_loop3A_359 : i32 to index
        %parallel_loop3A_362 = arith.index_cast %parallel_loop3A_360 : i32 to index
        %parallel_loop3A_363 = arith.index_cast %parallel_loop3A_237 : i32 to index
        %parallel_loop3A_364 = tpu.vector_load %arg7[%parallel_loop3A_361, %parallel_loop3A_362, %parallel_loop3A_363] {strides = array<i32>} : memref<2x8x2048xf32, #tpu.memory_space<vmem>>, vector<1x1x16xf32>,
        %parallel_loop3A_365 = vector.shape_cast %parallel_loop3A_364 : vector<1x1x16xf32> to vector<16xf32>
        %parallel_loop3A_366 = arith.mulf %parallel_loop3A_365, %gather3A_216 : vector<16xf32>
        %parallel_loop3A_367 = arith.addf %parallel_loop3A_358, %parallel_loop3A_366 : vector<16xf32>
        %parallel_loop3A_368 = arith.constant 1 : i32
        %parallel_loop3A_369 = arith.constant 6 : i32
        %parallel_loop3A_370 = arith.index_cast %parallel_loop3A_368 : i32 to index
        %parallel_loop3A_371 = arith.index_cast %parallel_loop3A_369 : i32 to index
        %parallel_loop3A_372 = arith.index_cast %parallel_loop3A_237 : i32 to index
        %parallel_loop3A_373 = tpu.vector_load %arg7[%parallel_loop3A_370, %parallel_loop3A_371, %parallel_loop3A_372] {strides = array<i32>} : memref<2x8x2048xf32, #tpu.memory_space<vmem>>, vector<1x1x16xf32>,
        %parallel_loop3A_374 = vector.shape_cast %parallel_loop3A_373 : vector<1x1x16xf32> to vector<16xf32>
        %parallel_loop3A_375 = arith.mulf %parallel_loop3A_374, %gather3A_220 : vector<16xf32>
        %parallel_loop3A_376 = arith.addf %parallel_loop3A_367, %parallel_loop3A_375 : vector<16xf32>
        %parallel_loop3A_377 = arith.constant 1 : i32
        %parallel_loop3A_378 = arith.constant 7 : i32
        %parallel_loop3A_379 = arith.index_cast %parallel_loop3A_377 : i32 to index
        %parallel_loop3A_380 = arith.index_cast %parallel_loop3A_378 : i32 to index
        %parallel_loop3A_381 = arith.index_cast %parallel_loop3A_237 : i32 to index
        %parallel_loop3A_382 = tpu.vector_load %arg7[%parallel_loop3A_379, %parallel_loop3A_380, %parallel_loop3A_381] {strides = array<i32>} : memref<2x8x2048xf32, #tpu.memory_space<vmem>>, vector<1x1x16xf32>,
        %parallel_loop3A_383 = vector.shape_cast %parallel_loop3A_382 : vector<1x1x16xf32> to vector<16xf32>
        %parallel_loop3A_384 = arith.mulf %parallel_loop3A_383, %gather3A_224 : vector<16xf32>
        %parallel_loop3A_385 = arith.addf %parallel_loop3A_376, %parallel_loop3A_384 : vector<16xf32>
        %parallel_loop3A_386 = arith.constant 1 : i32
        %parallel_loop3A_387 = arith.index_cast %parallel_loop3A_386 : i32 to index
        %parallel_loop3A_388 = arith.index_cast %parallel_loop3A_237 : i32 to index
        %parallel_loop3A_389 = tpu.vector_load %arg9[%parallel_loop3A_387, %parallel_loop3A_388] {strides = array<i32>} : memref<2x2048xf32, #tpu.memory_space<vmem>>, vector<1x16xf32>,
        %parallel_loop3A_390 = vector.shape_cast %parallel_loop3A_389 : vector<1x16xf32> to vector<16xf32>
        %parallel_loop3A_391 = vector.shape_cast %parallel_loop3A_385 : vector<16xf32> to vector<1x16xf32>
        tpu.vector_store %arg9[%parallel_loop3A_387, %parallel_loop3A_388], %parallel_loop3A_391 {strides = array<i32>} : memref<2x2048xf32, #tpu.memory_space<vmem>>, vector<1x16xf32>,
      } {sc.loop_unroll_factor = 4 : i64, sc.parallel_access}
      %mul3A_228 = arith.constant 2 : i32
      %mul3A_229 = arith.muli %add3A_32, %mul3A_228 : i32
      %add3A_230 = arith.addi %mul3A_2, %mul3A_229 : i32
      %dma_start3A_231 = arith.constant 0 : i32
      %dma_start3A_232 = tpu.memref_slice %arg4[%add3A_230, %dma_start3A_231] : memref<8192x2048xf32, #tpu.memory_space<hbm>> -> memref<2x2048xf32, #tpu.memory_space<hbm>>
      %dma_start3A_233 = arith.constant 0 : i32
      %dma_start3A_234 = tpu.memref_slice %arg4[%add3A_230, %dma_start3A_233] : memref<8192x2048xf32, #tpu.memory_space<hbm>> -> memref<2x2048xf32, #tpu.memory_space<hbm>>
      tpu.enqueue_dma source(%arg9 : memref<2x2048xf32, #tpu.memory_space<vmem>>) target(%dma_start3A_234 : memref<2x2048xf32, #tpu.memory_space<hbm>>) target_semaphore(%arg13 : memref<!tpu.dma_semaphore, #tpu.memory_space<semaphore_mem>>)
    }
    %scan3A_16 = arith.constant 64 : i32
    %add3A_17 = arith.constant 252 : i32
    %add3A_18 = arith.addi %mul3A_2, %add3A_17 : i32
    %dma_wait3A = arith.constant 0 : i32
    %dma_wait3A_19 = tpu.memref_slice %arg4[%add3A_18, %dma_wait3A] : memref<8192x2048xf32, #tpu.memory_space<hbm>> -> memref<2x2048xf32, #tpu.memory_space<hbm>>
    %dma_wait3A_20 = arith.constant 0 : i32
    %dma_wait3A_21 = tpu.memref_slice %arg4[%add3A_18, %dma_wait3A_20] : memref<8192x2048xf32, #tpu.memory_space<hbm>> -> memref<2x2048xf32, #tpu.memory_space<hbm>>
    tpu.wait_dma2 semaphore(%arg12 : memref<!tpu.dma_semaphore, #tpu.memory_space<semaphore_mem>>) src(%arg8 : memref<2x2048xf32, #tpu.memory_space<vmem>>) dst(%dma_wait3A_21 : memref<2x2048xf32, #tpu.memory_space<hbm>>)
    %add3A_22 = arith.constant 254 : i32
    %add3A_23 = arith.addi %mul3A_2, %add3A_22 : i32
    %dma_wait3A_24 = arith.constant 0 : i32
    %dma_wait3A_25 = tpu.memref_slice %arg4[%add3A_23, %dma_wait3A_24] : memref<8192x2048xf32, #tpu.memory_space<hbm>> -> memref<2x2048xf32, #tpu.memory_space<hbm>>
    %dma_wait3A_26 = arith.constant 0 : i32
    %dma_wait3A_27 = tpu.memref_slice %arg4[%add3A_23, %dma_wait3A_26] : memref<8192x2048xf32, #tpu.memory_space<hbm>> -> memref<2x2048xf32, #tpu.memory_space<hbm>>
    tpu.wait_dma2 semaphore(%arg13 : memref<!tpu.dma_semaphore, #tpu.memory_space<semaphore_mem>>) src(%arg9 : memref<2x2048xf32, #tpu.memory_space<vmem>>) dst(%dma_wait3A_27 : memref<2x2048xf32, #tpu.memory_space<hbm>>)
    return
  }
}

</mosaic_0001>

<sc_bundles>
// kernel: kernel.3.cloned.1.call-start
scs
__scs_entry_jumppad:
0x0: {  	(pc) =	sbr.rel $0x88, $3  }
0x1: {  	(tag) =	ssettag $0x0;
	lr =	simm.s32 $0x1  }
0x2: {  	[smem:$0x3F9F] =	sst lr;
	_ =	strace $0xD0000000  }
0x3: {  	_ = 	snop  }
0x4: {  	_ = 	snop  }
0x5: {  	_ = 	snop  }
0x6: {  	_ = 	snop  }
0x7: {  	_ = 	snop  }
__scs_overlays_trampoline_lowered:
0x8: {  	[smem:$0x3FAE] =	sst s0  }
0x9: {  	[smem:$0x3FAF] =	sst s1  }
0xa: {  	[smem:$0x3FB0] =	sst s2  }
0xb: {  	[smem:$0x3FB1] =	sst s3  }
0xc: {  	[smem:$0x3FB2] =	sst s4  }
0xd: {  	[smem:$0x3FB3] =	sst s5  }
0xe: {  	[smem:$0x3FB4] =	sst s6  }
0xf: {  	[smem:$0x3FB5] =	sst s7  }
0x10: {  	[smem:$0x3FB6] =	sst s8  }
0x11: {  	[smem:$0x3FB7] =	sst s9;
	s0 =	simm.s32 @!p0 $0x0  }
0x12: {  	s1 =	sld [smem:$0x3F9D];
	s0 =	simm.s32 @p0 $0x1  }
0x13: {  	[smem:$0x3FB8] =	sst s0;
	s0 =	simm.s32 @!p1 $0x0  }
0x14: {  	s2 =	sld [smem:$0x3F9C];
	s0 =	simm.s32 @p1 $0x1  }
0x15: {  	[smem:$0x3FB9] =	sst s0;
	s0 =	simm.s32 @!p2 $0x0  }
0x16: {  	s3 =	sld [smem:$0x3FDB];
	s0 =	simm.s32 @p2 $0x1  }
0x17: {  	s4 =	simm.s32 $0x1BF5;
	[smem:$0x3FBB] =	sst s0  }
0x18: {  	s0 =	sld [smem:$0x3F9E];
	_ =	swait.ge [sflag:s4], $0x0  }
0x19: {  	s7 =	sld [smem:$0x3F9F]  }
0x1a: {  	s8 =	sadd.s32 $0xFFFFE003, lr  }
0x1b: {  	s9 =	sadd.s32 $0xFFFFFEF7, lr;
	s5 =	simm.s32 $0xFFFFFFFF;
	p2 =	slt.u32 s8, $0xFFFFF086  }
0x1c: {  	p1 =	slt.u32 s9, $0xF7A;
	s5 =	simm.s32 @!p2 $0x0  }
0x1d: {  	s5 =	simm.s32 @p1 $0x1;
	p0 =	seq.s32 s7, s2  }
0x1e: {  	s7 =	smul.u32 @!p0 $0xF7A, s2;
	p2 =	seq.s32 @!p0 s5, $0x0  }
0x1f: {  	s9 =	smul.u32 $0xF7A, s1;
	s8 =	simm.s32 @!p0 $0x1BF5;
	p2 =	por !p2, p0  }
0x20: {  	[sflag:s8] =	ssyncset.s32 @!p0 $0xFFFFF086;
	s6 =	sadd.s32 @!p0 s3, s7;
	s7 =	simm.s32 @!p0 $0x108  }
0x21: {  	s3 =	sadd.s32 s3, s9;
	s6 =	sadd.s32 @!p0 $0x88, s6;
	s7 =	simm.s32 @p2 $0x1082  }
0x22: {  	[simem:s7], [sflag:s8] =	dma.local @!p0 [hbm:s6], $0xF7A  }
0x23: {  	s9 =	sor.u32 $0xD0000000, s2;
	s6 =	simm.s32 $0x108;
	_ =	swait.ge @!p0 [sflag:s8], $0x0  }
0x24: {  	s3 =	sadd.s32 $0x88, s3;
	s6 =	simm.s32 @!p1 $0x1082;
	[sflag:s4] =	ssyncset.s32 $0xFFFFF086  }
0x25: {  	[simem:s6], [sflag:s4] =	dma.local [hbm:s3], $0xF7A  }
0x26: {  	[smem:$0x3F9F] =	sst s1;
	(tag) =	ssettag s2;
	_ =	strace s9  }
0x27: {  	s1 =	sld [smem:$0x3FAF]  }
0x28: {  	s2 =	sld [smem:$0x3FB0]  }
0x29: {  	s4 =	sld [smem:$0x3FB2]  }
0x2a: {  	p0 =	seq.s32 s5, $0x0;
	s5 =	sld [smem:$0x3FB3]  }
0x2b: {  	s6 =	sld [smem:$0x3FB4]  }
0x2c: {  	s7 =	sld [smem:$0x3FB5]  }
0x2d: {  	s3 =	simm.s32 $0x108;
	s8 =	sld [smem:$0x3FB6]  }
0x2e: {  	s3 =	simm.s32 @!p0 $0x1082;
	s9 =	sld [smem:$0x3FB7]  }
0x2f: {  	lr =	sadd.s32 s0, s3;
	s0 =	sld [smem:$0x3FAE]  }
0x30: {  	s3 =	sld [smem:$0x3FB1]  }
0x31: {  	[smem:$0x3FBA] =	sst s10  }
0x32: {  	s10 =	sld [smem:$0x3FB8];
	_ =	sdelay $0x3  }
0x33: {  	p0 =	seq.s32 s10, $0x1;
	s10 =	sld [smem:$0x3FBA];
	_ =	sdelay $0x3  }
0x34: {  	[smem:$0x3FBA] =	sst s10  }
0x35: {  	s10 =	sld [smem:$0x3FB9];
	_ =	sdelay $0x3  }
0x36: {  	p1 =	seq.s32 s10, $0x1;
	s10 =	sld [smem:$0x3FBA];
	_ =	sdelay $0x3  }
0x37: {  	[smem:$0x3FBA] =	sst s10  }
0x38: {  	s10 =	sld [smem:$0x3FBB]  }
0x39: {  	_ = 	snop;
	(pc) =	sbr.ind lr, $3  }
0x3a: {  	_ = 	snop  }
0x3b: {  	_ = 	snop  }
0x3c: {  	p2 =	seq.s32 s10, $0x1;
	s10 =	sld [smem:$0x3FBA]  }
0x3d: {  	_ =	shalt  }
0x3e: {  	_ =	shalt  }
0x3f: {  	_ =	shalt  }
0x40: {  	_ =	shalt  }
0x41: {  	_ =	shalt  }
0x42: {  	_ =	shalt  }
0x43: {  	_ =	shalt  }
0x44: {  	_ =	shalt  }
0x45: {  	_ =	shalt  }
0x46: {  	_ =	shalt  }
0x47: {  	_ =	shalt  }
0x48: {  	_ =	shalt  }
0x49: {  	_ =	shalt  }
0x4a: {  	_ =	shalt  }
0x4b: {  	_ =	shalt  }
0x4c: {  	_ =	shalt  }
0x4d: {  	_ =	shalt  }
0x4e: {  	_ =	shalt  }
0x4f: {  	_ =	shalt  }
0x50: {  	_ =	shalt  }
0x51: {  	_ =	shalt  }
0x52: {  	_ =	shalt  }
0x53: {  	_ =	shalt  }
0x54: {  	_ =	shalt  }
0x55: {  	_ =	shalt  }
0x56: {  	_ =	shalt  }
0x57: {  	_ =	shalt  }
0x58: {  	_ =	shalt  }
0x59: {  	_ =	shalt  }
0x5a: {  	_ =	shalt  }
0x5b: {  	_ =	shalt  }
0x5c: {  	_ =	shalt  }
0x5d: {  	_ =	shalt  }
0x5e: {  	_ =	shalt  }
0x5f: {  	_ =	shalt  }
0x60: {  	_ =	shalt  }
0x61: {  	_ =	shalt  }
0x62: {  	_ =	shalt  }
0x63: {  	_ =	shalt  }
0x64: {  	_ =	shalt  }
0x65: {  	_ =	shalt  }
0x66: {  	_ =	shalt  }
0x67: {  	_ =	shalt  }
0x68: {  	_ =	shalt  }
0x69: {  	_ =	shalt  }
0x6a: {  	_ =	shalt  }
0x6b: {  	_ =	shalt  }
0x6c: {  	_ =	shalt  }
0x6d: {  	_ =	shalt  }
0x6e: {  	_ =	shalt  }
0x6f: {  	_ =	shalt  }
0x70: {  	_ =	shalt  }
0x71: {  	_ =	shalt  }
0x72: {  	_ =	shalt  }
0x73: {  	_ =	shalt  }
0x74: {  	_ =	shalt  }
0x75: {  	_ =	shalt  }
0x76: {  	_ =	shalt  }
0x77: {  	_ =	shalt  }
0x78: {  	_ =	shalt  }
0x79: {  	_ =	shalt  }
0x7a: {  	_ =	shalt  }
0x7b: {  	_ =	shalt  }
0x7c: {  	_ =	shalt  }
0x7d: {  	_ =	shalt  }
0x7e: {  	_ =	shalt  }
0x7f: {  	_ =	shalt  }
0x80: {  	_ =	shalt  }
0x81: {  	_ =	shalt  }
0x82: {  	_ =	shalt  }
0x83: {  	_ =	shalt  }
0x84: {  	_ =	shalt  }
0x85: {  	_ =	shalt  }
0x86: {  	_ =	shalt  }
0x87: {  	_ =	shalt  }
.Lfunc_end0:
.L_simem_size_0:
called_computation_lowered:
.L_overlay_start_0:
0x88: {  	s2 =	sld [smem:$0x3FD9]  }
0x89: {  	s3 =	sld [smem:$0x3FFE];
	_ =	sdelay $0x1  }
0x8a: {  	s1 =	srdreg.scid  }
0x8b: {  	s0 =	sand.u32 $0x1, s1  }
0x8c: {  	s17 =	sshll.u32 s0, $0xA;
	s2 =	sadd.s32 s3, s2  }
0x8d: {  	s2 =	sadd.s32 s2, s17  }
0x8e: {  	[smem:$0x3FC6] =	sst s2  }
0x8f: {  	_ = 	snop  }
0x90: {  	s2 =	sld [smem:$0x3FC9]  }
0x91: {  	s18 =	sld [smem:$0x3FD0];
	(tm) =	ssettm $0x1  }
0x92: {  	s4 =	sld [smem:$0x3FFB];
	_ =	sdelay $0x3  }
0x93: {  	_ =	strace s4  }
0x94: {  	s4 =	sld [smem:$0x3FFC];
	_ =	sdelay $0x3  }
0x95: {  	_ =	strace s4  }
0x96: {  	s4 =	sld [smem:$0x3FFD];
	_ =	sdelay $0x3  }
0x97: {  	_ =	strace s4  }
0x98: {  	_ =	strace $0x8FFFFFFF  }
0x99: {  	s19 =	sld [smem:$0x3FDB];
	_ =	sdelay $0x1  }
0x9a: {  	s5 =	simm.s32 $_scs_section_size  }
0x9b: {  	s6 =	simm.s32 $_size__tile_overlayer_lowered;
	s7 =	simm.s32 $_tile_overlayer_lowered  }
0x9c: {  	s22 =	simm.s32 $0x1BFF;
	s21 =	sshll.u32 s7, $0x1;
	s4 =	sadd.s32 s5, s19  }
0x9d: {  	s8 =	simm.s32 $0x0;
	s20 =	sshll.u32 s6, $0x1;
	s6 =	sadd.s32 s21, s4  }
0x9e: {  	[timem:s8], [sflag:s22] =	dma.local [hbm:s6], s20  }
0x9f: {  	_ =	swait.ge [sflag:s22], s20  }
0xa0: {  	s5 =	ssub.s32 $0x0, s20;
	[sflag:s22] =	ssyncset.done $0x0  }
0xa1: {  	[sflag:s22] =	ssyncadd.s32 s5;
	_ =	sdelay $0x1  }
0xa2: {  	s23 =	simm.s32 $0x1B8B  }
0xa3: {  	_ =	swait.ge [sflag:s23], $0x1  }
0xa4: {  	[sflag:s23] =	ssyncset.done $0x0  }
0xa5: {  	s25 =	simm.s32 $0x1B8E;
	s24 =	sld [smem:$0x3FFE];
	[sflag:s23] =	ssyncadd.s32 $0xFFFFFFFF  }
0xa6: {  	s26 =	simm.s32 $execute0_lowered;
	[smem:$0x3FD2] =	sst s25  }
0xa7: {  	s6 =	sshll.u32 s26, $0x1;
	_ =	strace $0x80000046;
	[dreg:$0x1] =	wrdreg $0xFFFFFFFF  }
0xa8: {  	s28 =	simm.s32 $_size_execute0_lowered;
	s4 =	sadd.s32 s4, s6;
	[dreg:$0x0] =	wrdreg $0x0  }
0xa9: {  	s6 =	sshll.u32 s28, $0x1;
	[dreg:$0x2] =	wrdreg s4  }
0xaa: {  	[dreg:$0x3] =	wrdreg s6  }
0xab: {  	[dreg:$0x4] =	wrdreg $0xC0  }
0xac: {  	_ =	task [dreg:s8], $0x5FFFF  }
0xad: {  	[dreg:$0x1] =	wrdreg $0xFFFFFFFF  }
0xae: {  	[dreg:$0x0] =	wrdreg $0x60  }
0xaf: {  	[dreg:$0x2] =	wrdreg s2  }
0xb0: {  	[dreg:$0x3] =	wrdreg s24  }
0xb1: {  	[dreg:$0x4] =	wrdreg s18  }
0xb2: {  	[dreg:$0x5] =	wrdreg $0x9  }
0xb3: {  	_ =	task.clear_ibuf [dreg:s8], $0x6FFFF;
	_ =	strace $0x90000046  }
0xb4: {  	s29 =	simm.s32 $0x9;
	_ =	strace $0x80000048  }
0xb5: {  	_ =	swait.ge [sflag:s29], $0x1  }
0xb6: {  	[sflag:s29] =	ssyncadd.s32 $0xFFFFFFFF  }
0xb7: {  	_ =	strace $0x90000048  }
0xb8: {  	_ =	sfence  }
0xb9: {  	s30 =	sld [smem:$0x0];
	_ =	sdelay $0x2  }
0xba: {  	s31 =	sshll.u32 s1, $0xD;
	s1 =	sshrl.u32 s1, $0x2  }
0xbb: {  	s3 =	sand.u32 $0x4000, s31;
	s1 =	sadd.s32 s1, s30  }
0xbc: {  	s0 =	sor.u32 s3, s0;
	s1 =	sshll.u32 s1, $0x11  }
0xbd: {  	s0 =	sor.u32 s1, s0  }
0xbe: {  	s0 =	sadd.s32 $0x8F2B, s0  }
0xbf: {  	[sflag:s0] =	ssyncadd.remote.s32 $0x1  }
0xc0: {  	_ =	sfence.sel $0xFFFF  }
0xc1: {  	[dreg:$0x0] =	wrdreg $0xFFFFFFFF;
	(pc) =	sbr.abs _section_cstart, $3  }
0xc2: {  	[dreg:$0x1] =	wrdreg $0xFFFFFFFF  }
0xc3: {  	_ =	task.clear_ibuf [dreg:s8], $0x2FFFF;
	_ =	strace $0x9FFFFFFF  }
0xc4: {  	(tm) =	ssettm $0x7FFFFFFF  }
0xc5: {  	_ =	shalt  }
tec
execute0_lowered:
.L_overlay_start_1:
0x0: {  	(tag) =	ssettag $0x1  }
0x1: {  	s4 =	rddreg [dreg:$0x0]  }
0x2: {  	s0 =	rddreg [dreg:$0x1]  }
0x3: {  	s5 =	rddreg [dreg:$0x2]  }
0x4: {  	s1 =	srdreg.scid;
	s2 =	stileid.u32;
	s3 =	simm.s32 $0x0  }
0x5: {  	s1 =	sand.u32 $0x1, s1;
	s2 =	sshll.u32 s2, $0x1;
	[smem:$0x7FF] =	sst s3  }
0x6: {  	s2 =	sor.u32 s1, s2;
	s1 =	ssub.s32 $0x2, s1;
	_ =	strace $0x80000047  }
0x7: {  	s6 =	sshll.u32 s2, $0x8;
	s26 =	sshrl.u32 s1, $0x1;
	s28 =	sshll.u32 s2, $0x13  }
0x8: {  	v0 =	vimm.s32 $0x0;
	[smem:$0x7F8] =	sst s6;
	s0 =	sadd.s32 s6, s0;
	s3 =	sadd.s32 s4, s28  }
0x9: {  	v1 =	vimm.s32 $0x1;
	v2 =	vimm.s32 $0x2;
	v3 =	vimm.s32 $0x3;
	s1 =	ssub.s32 s1, s26;
	s0 =	sadd.s32 $0x400, s0;
	[smem:$0x7FC] =	sst s3  }
0xa: {  	v4 =	vimm.s32 $0x4;
	v5 =	vimm.s32 $0x5;
	v6 =	vimm.s32 $0x6;
	s30 =	smax.u32 s1, $0x1;
	[smem:$0x7F9] =	sst s0  }
0xb: {  	v7 =	vimm.s32 $0x7;
	v8 =	vimm.s32 $0x8;
	v9 =	vimm.s32 $0x9;
	s29 =	sshll.u32 s2, $0x10;
	s31 =	sadd.s32 $0x2000, s3;
	[smem:$0x7FB] =	sst s30  }
0xc: {  	v10 =	vimm.s32 $0xA;
	v11 =	vimm.s32 $0xB;
	v12 =	vimm.s32 $0xC;
	s0 =	sadd.s32 s5, s29;
	[smem:$0x7FD] =	sst s31  }
0xd: {  	v13 =	vimm.s32 $0xD;
	v14 =	vimm.s32 $0xE;
	v15 =	vimm.s32 $0xF;
	s2 =	simm.s32 $0x0;
	[smem:$0x7FA] =	sst s0  }
.LBB2_1:
0xe: {  	s1 =	sld [smem:$0x7F9];
	_ =	sdelay $0x1  }
0xf: {  	[smem:$0x7F7] =	sst s2;
	s0 =	simm.s32 $0x0;
	s29 =	simm.s32 $0x5  }
0x10: {  	[tilespmem:s0], [sflag:$0x5] =	stream.linear.gather [hbm4b:s1+s0], $0x800, $0x38;
	[tilespmem:$0x12800] =	vst v63  }
0x11: {  	_ =	swait.ge [sflag:s29], $0x800  }
0x12: {  	s30 =	sld [smem:$0x7FC]  }
0x13: {  	[sflag:s29] =	ssyncset.done $0x0  }
0x14: {  	s31 =	simm.s32 $0x800;
	s3 =	simm.s32 $0x0;
	[sflag:s29] =	ssyncadd.s32 $0xFFFFF800  }
0x15: {  	[tilespmem:s31], [sflag:$0x1] =	stream.linear.gather [hbm4b:s30+s0], $0x8000, $0x38;
	[tilespmem:$0x12800] =	vst v63  }
.LBB2_2:
0x16: {  	s1 =	sld [smem:$0x7F8]  }
0x17: {  	s0 =	sshllo.u32 s3, $0x1  }
0x18: {  	[smem:$0x7F4] =	sst s0;
	s0 =	sshll.u32 s0, $0x1  }
0x19: {  	s0 =	sadd.s32 s1, s0  }
0x1a: {  	[smem:$0x7F5] =	sst s0;
	s0 =	sshll.u32 s0, $0xB  }
0x1b: {  	s13 =	rddreg [dreg:$0x0];
	s14 =	simm.s32 $0x0;
	s0 =	sand.u32 $0x1FFFF000, s0  }
0x1c: {  	s2 =	simm.s32 $0x8800;
	s15 =	simm.s32 $0x1;
	s0 =	sadd.s32 s13, s0  }
0x1d: {  	[tilespmem:s2], [sflag:$0x2] =	stream.linear.gather [hbm4b:s0+s14], $0x8000, $0x38;
	[tilespmem:$0x12800] =	vst v63  }
0x1e: {  	_ =	swait.ge [sflag:s15], $0x8000  }
0x1f: {  	p0 =	seq.s32 s3, $0x0;
	[sflag:s15] =	ssyncset.done $0x0  }
0x20: {  	s23 =	simm.s32 $0x0;
	s0 =	simm.s32 @!p0 $0x3;
	[sflag:s15] =	ssyncadd.s32 $0xFFFF8000  }
0x21: {  	s16 =	simm.s32 $0x0;
	s17 =	sshll.u32 s3, $0x5;
	_ =	swait.ge @!p0 [sflag:s0], $0x1000  }
0x22: {  	s5 =	sand.u32 $0x3FFFFC00, s16;
	s18 =	sand.u32 $0x3FFFFFE0, s17;
	[sflag:s0] =	ssyncset.done @!p0 $0x0  }
0x23: {  	s4 =	sadd.s32 $0x800, s5;
	[sflag:s0] =	ssyncadd.s32 @!p0 $0xFFFFF000;
	s0 =	sand.u32 $0x40, s23  }
0x24: {  	[smem:$0x7F6] =	sst s3;
	v31 =	vld [tilespmem:s18+$0x0];
	s11 =	sor.u32 s0, s4  }
0x25: {  	v25 =	vld [tilespmem:s11+$0x0]  }
0x26: {  	v26 =	vld [tilespmem:s11+$0x80]  }
0x27: {  	v35 =	vld [tilespmem:s11+$0x100]  }
0x28: {  	v63 =	vld [tilespmem:s11+$0x180]  }
0x29: {  	s19 =	sor.u32 $0x30, s0;
	v39 =	vld [tilespmem:s11+$0x200]  }
0x2a: {  	s6 =	sor.u32 s19, s4;
	v46 =	vld [tilespmem:s11+$0x280]  }
0x2b: {  	v19 =	vld [tilespmem:s6+$0x0]  }
0x2c: {  	v20 =	vld [tilespmem:s6+$0x80]  }
0x2d: {  	v50 =	vld [tilespmem:s11+$0x300]  }
0x2e: {  	s1 =	sor.u32 $0x10, s0;
	v21 =	vld [tilespmem:s6+$0x100]  }
0x2f: {  	s10 =	sor.u32 s1, s4;
	v22 =	vld [tilespmem:s6+$0x180];
	v16 =	vperm.xlane v31, v0;
	v17 =	vperm.xlane v31, v1  }
0x30: {  	v27 =	vld [tilespmem:s10+$0x0];
	v18 =	vperm.xlane v31, v2  }
0x31: {  	v24 =	vld [tilespmem:s6+$0x200];
	v23 =	vmul.f32 v19, v16;
	v20 =	vmul.f32 v20, v17  }
0x32: {  	s3 =	sor.u32 $0x20, s0;
	v28 =	vld [tilespmem:s10+$0x80]  }
0x33: {  	s12 =	sor.u32 s3, s4;
	v29 =	vld [tilespmem:s6+$0x280];
	v19 =	vperm.xlane v31, v3;
	v21 =	vmul.f32 v21, v18;
	v23 =	vadd.f32 v20, v23  }
0x34: {  	v30 =	vld [tilespmem:s12+$0x0]  }
0x35: {  	v33 =	vld [tilespmem:s12+$0x80];
	v20 =	vperm.xlane v31, v4;
	v22 =	vmul.f32 v22, v19;
	v23 =	vadd.f32 v21, v23  }
0x36: {  	v32 =	vld [tilespmem:s6+$0x300];
	v41 =	vmul.f32 v25, v16  }
0x37: {  	v34 =	vld [tilespmem:s6+$0x380];
	v21 =	vperm.xlane v31, v5;
	v24 =	vmul.f32 v24, v20;
	v23 =	vadd.f32 v22, v23  }
0x38: {  	v36 =	vld [tilespmem:s10+$0x100];
	v27 =	vmul.f32 v27, v16;
	v28 =	vmul.f32 v28, v17  }
0x39: {  	v37 =	vld [tilespmem:s12+$0x100];
	v22 =	vperm.xlane v31, v6;
	v29 =	vmul.f32 v29, v21;
	v24 =	vadd.f32 v24, v23  }
0x3a: {  	v38 =	vld [tilespmem:s10+$0x180];
	v30 =	vmul.f32 v30, v16;
	v33 =	vmul.f32 v33, v17  }
0x3b: {  	v45 =	vld [tilespmem:s12+$0x180];
	v23 =	vperm.xlane v31, v7;
	v24 =	vadd.f32 v29, v24;
	v29 =	vmul.f32 v32, v22  }
0x3c: {  	v40 =	vld [tilespmem:s10+$0x200];
	v26 =	vmul.f32 v26, v17;
	v27 =	vadd.f32 v28, v27;
	v28 =	vadd.f32 v33, v30  }
0x3d: {  	s20 =	simm.s32 $0x0;
	v42 =	vld [tilespmem:s12+$0x200];
	v30 =	vmul.f32 v36, v18;
	v24 =	vadd.f32 v29, v24;
	v29 =	vmul.f32 v34, v23  }
0x3e: {  	s4 =	sand.u32 $0x3FFFFF00, s20;
	v48 =	vld [tilespmem:s10+$0x280];
	v25 =	vperm.xlane v31, v9;
	v35 =	vmul.f32 v35, v18;
	v26 =	vadd.f32 v26, v41  }
0x3f: {  	s8 =	sadd.s32 $0x10800, s4;
	v49 =	vld [tilespmem:s12+$0x280];
	v27 =	vadd.f32 v30, v27;
	v30 =	vmul.f32 v38, v19;
	v29 =	vadd.f32 v29, v24  }
0x40: {  	s21 =	sadd.s32 $0x4800, s5;
	v53 =	vld [tilespmem:s10+$0x300];
	s4 =	sor.u32 s19, s8;
	v47 =	vmul.f32 v37, v18;
	v35 =	vadd.f32 v35, v26;
	v26 =	vperm.xlane v31, v10  }
0x41: {  	s7 =	sadd.s32 $0x4880, s5;
	s9 =	sor.u32 s19, s21;
	v59 =	vld [tilespmem:s10+$0x380];
	v51 =	vmul.f32 v39, v20;
	v52 =	vmul.f32 v40, v20;
	v30 =	vadd.f32 v30, v27;
	[tilespmem:s4+$0x0] =	vst v29  }
0x42: {  	s13 =	sor.u32 s19, s7;
	v28 =	vadd.f32 v47, v28;
	v54 =	vmul.f32 v42, v20;
	v32 =	vmul.f32 v63, v19;
	v29 =	vld [tilespmem:s9+$0x0]  }
0x43: {  	v27 =	vperm.xlane v31, v11;
	v58 =	vmul.f32 v48, v21;
	v30 =	vadd.f32 v52, v30;
	s9 =	sadd.s32 $0x4900, s5;
	v43 =	vld [tilespmem:s13+$0x0]  }
0x44: {  	v55 =	vld [tilespmem:s11+$0x380];
	v56 =	vmul.f32 v46, v21;
	v61 =	vmul.f32 v49, v21;
	v32 =	vadd.f32 v32, v35;
	s22 =	sor.u32 s19, s9  }
0x45: {  	s11 =	sadd.s32 $0x4980, s5;
	v62 =	vmul.f32 v53, v22;
	v30 =	vadd.f32 v58, v30;
	v34 =	vmul.f32 v45, v19;
	v33 =	vld [tilespmem:s22+$0x0]  }
0x46: {  	v57 =	vld [tilespmem:s12+$0x300];
	s24 =	sor.u32 s19, s11;
	v37 =	vmul.f32 v59, v23;
	v24 =	vperm.xlane v31, v8;
	v32 =	vadd.f32 v51, v32  }
0x47: {  	s10 =	sadd.s32 $0x4A00, s5;
	v35 =	vmul.f32 v50, v22;
	v30 =	vadd.f32 v62, v30;
	v28 =	vadd.f32 v34, v28;
	v60 =	vld [tilespmem:s24+$0x0]  }
0x48: {  	s15 =	sadd.s32 $0x4A80, s5;
	s25 =	sor.u32 s19, s10;
	v63 =	vld [tilespmem:s12+$0x380];
	v32 =	vadd.f32 v56, v32;
	v29 =	vmul.f32 v29, v24;
	v43 =	vmul.f32 v43, v25  }
0x49: {  	s26 =	sor.u32 s19, s15;
	s12 =	sadd.s32 $0x4B00, s5;
	v45 =	vmul.f32 v55, v23;
	v30 =	vadd.f32 v37, v30;
	v28 =	vadd.f32 v54, v28;
	v46 =	vld [tilespmem:s25+$0x0]  }
0x4a: {  	s14 =	sadd.s32 $0x4B80, s5;
	s28 =	sor.u32 s19, s12;
	v47 =	vld [tilespmem:s26+$0x0];
	v32 =	vadd.f32 v35, v32;
	v29 =	vadd.f32 v43, v29;
	v33 =	vmul.f32 v33, v26  }
0x4b: {  	s2 =	sor.u32 s19, s14;
	v39 =	vmul.f32 v57, v22;
	v49 =	vld [tilespmem:s28+$0x0];
	v34 =	vadd.f32 v61, v28;
	v28 =	vperm.xlane v31, v12;
	s19 =	sor.u32 s1, s8  }
0x4c: {  	s16 =	sor.u32 s1, s21;
	v50 =	vld [tilespmem:s2+$0x0];
	[tilespmem:s19+$0x0] =	vst v30;
	v32 =	vadd.f32 v45, v32;
	v48 =	vmul.f32 v60, v27;
	v33 =	vadd.f32 v33, v29  }
0x4d: {  	s18 =	sor.u32 s1, s7;
	s17 =	sor.u32 s0, s8;
	v38 =	vmul.f32 v63, v23;
	v34 =	vadd.f32 v39, v34;
	v55 =	vld [tilespmem:s16+$0x0]  }
0x4e: {  	s31 =	sor.u32 s0, s21;
	v57 =	vld [tilespmem:s18+$0x0];
	[tilespmem:s17+$0x0] =	vst v32;
	v53 =	vmul.f32 v46, v28;
	v29 =	vperm.xlane v31, v13;
	v52 =	vadd.f32 v48, v33  }
0x4f: {  	s13 =	sor.u32 s0, s7;
	v34 =	vadd.f32 v38, v34;
	v51 =	vld [tilespmem:s31+$0x0]  }
0x50: {  	s20 =	sor.u32 s3, s8;
	s24 =	sor.u32 s0, s9;
	v30 =	vperm.xlane v31, v14;
	v54 =	vld [tilespmem:s13+$0x0];
	v56 =	vmul.f32 v47, v29;
	v32 =	vadd.f32 v53, v52  }
0x51: {  	s21 =	sor.u32 s3, s21;
	v61 =	vld [tilespmem:s24+$0x0];
	[tilespmem:s20+$0x0] =	vst v34  }
0x52: {  	s22 =	sor.u32 s3, s7;
	v59 =	vmul.f32 v49, v30;
	v58 =	vld [tilespmem:s21+$0x0];
	v31 =	vperm.xlane v31, v15;
	v32 =	vadd.f32 v56, v32  }
0x53: {  	s29 =	sor.u32 s3, s15;
	s30 =	sor.u32 s1, s12;
	s28 =	sor.u32 s0, s11;
	v60 =	vld [tilespmem:s22+$0x0]  }
0x54: {  	s5 =	sor.u32 s0, s15;
	s2 =	sor.u32 s0, s14;
	s26 =	sor.u32 s3, s9;
	v36 =	vld [tilespmem:s28+$0x0];
	v62 =	vmul.f32 v50, v31;
	v33 =	vadd.f32 v59, v32  }
0x55: {  	s25 =	sor.u32 s1, s9;
	s31 =	sor.u32 s1, s11;
	s11 =	sor.u32 s3, s11;
	v35 =	vld [tilespmem:s26+$0x0];
	v38 =	vmul.f32 v55, v24;
	v44 =	vmul.f32 v57, v25  }
0x56: {  	s8 =	sor.u32 s0, s10;
	s16 =	sor.u32 s1, s10;
	s10 =	sor.u32 s3, s10;
	v34 =	vld [tilespmem:s11+$0x0];
	v37 =	vmul.f32 v51, v24;
	v63 =	vmul.f32 v54, v25;
	v41 =	vadd.f32 v62, v33  }
0x57: {  	s13 =	sor.u32 s1, s15;
	s1 =	sor.u32 s1, s14;
	s22 =	sor.u32 s0, s12;
	v38 =	vadd.f32 v44, v38;
	v40 =	vmul.f32 v61, v26;
	v32 =	vld [tilespmem:s25+$0x0]  }
0x58: {  	s21 =	sor.u32 s3, s12;
	s0 =	sor.u32 s3, s14;
	s11 =	simm.s32 $0x0;
	v37 =	vadd.f32 v63, v37;
	v39 =	vmul.f32 v58, v24;
	v33 =	vld [tilespmem:s31+$0x0];
	[tilespmem:s4+$0x80] =	vst v41;
	v41 =	vmul.f32 v60, v25  }
.LBB2_3:
0x59: {  	s11 =	sadd.s32 $0x4, s11;
	v42 =	vld [tilespmem:s8+$0x0]  }
0x5a: {  	[dreg:$0x8] =	wrdreg s19;
	v62 =	vld [tilespmem:s16+$0x0];
	s23 =	sadd.s32 $0x40, s23;
	s6 =	sshll.u32 s11, $0x7  }
0x5b: {  	[dreg:$0x7] =	wrdreg s20;
	v63 =	vld [tilespmem:s10+$0x0];
	s20 =	sand.u32 $0x40, s23;
	s19 =	sand.u32 $0x3FFFFC00, s6  }
0x5c: {  	[dreg:$0xc] =	wrdreg s0;
	v45 =	vld [tilespmem:s5+$0x0];
	s3 =	sor.u32 $0x30, s20;
	s0 =	sadd.s32 $0x800, s19  }
0x5d: {  	v46 =	vld [tilespmem:s13+$0x0];
	s7 =	sor.u32 s3, s0  }
0x5e: {  	v47 =	vld [tilespmem:s7+$0x0]  }
0x5f: {  	[dreg:$0x12] =	wrdreg s21;
	s21 =	sor.u32 s20, s0;
	v48 =	vld [tilespmem:s7+$0x80]  }
0x60: {  	v49 =	vld [tilespmem:s21+$0x0]  }
0x61: {  	v50 =	vld [tilespmem:s7+$0x100]  }
0x62: {  	s4 =	sor.u32 $0x10, s20;
	v43 =	vld [tilespmem:s21+$0x80]  }
0x63: {  	[dreg:$0x11] =	wrdreg s1;
	v39 =	vadd.f32 v41, v39;
	v32 =	vmul.f32 v32, v26;
	s1 =	sor.u32 s4, s0;
	v51 =	vld [tilespmem:s7+$0x180]  }
0x64: {  	v37 =	vadd.f32 v40, v37;
	v35 =	vmul.f32 v35, v26;
	v36 =	vmul.f32 v36, v27;
	v52 =	vld [tilespmem:s1+$0x0]  }
0x65: {  	v33 =	vmul.f32 v33, v27;
	v34 =	vmul.f32 v34, v27;
	v32 =	vadd.f32 v32, v38;
	v54 =	vld [tilespmem:s7+$0x200]  }
0x66: {  	[dreg:$0xb] =	wrdreg s17;
	s17 =	sor.u32 $0x20, s20;
	v35 =	vadd.f32 v35, v39;
	v55 =	vld [tilespmem:s1+$0x80];
	v39 =	vmul.f32 v47, v16;
	v53 =	vmul.f32 v48, v17  }
0x67: {  	[dreg:$0x13] =	wrdreg s22;
	s22 =	sor.u32 s17, s0;
	v40 =	vmul.f32 v62, v28;
	v38 =	vmul.f32 v63, v28;
	v58 =	vld [tilespmem:s7+$0x280];
	v32 =	vadd.f32 v33, v32  }
0x68: {  	v44 =	vld [tilespmem:s22+$0x0];
	v34 =	vadd.f32 v34, v35;
	v56 =	vmul.f32 v50, v18;
	v39 =	vadd.f32 v53, v39  }
0x69: {  	v59 =	vld [tilespmem:s7+$0x300];
	v36 =	vadd.f32 v36, v37;
	v37 =	vmul.f32 v46, v29;
	v40 =	vadd.f32 v40, v32  }
0x6a: {  	v60 =	vld [tilespmem:s22+$0x80];
	v34 =	vadd.f32 v38, v34;
	v38 =	vmul.f32 v51, v19;
	v39 =	vadd.f32 v56, v39  }
0x6b: {  	v42 =	vmul.f32 v42, v28;
	v41 =	vmul.f32 v45, v29;
	v62 =	vld [tilespmem:s7+$0x380]  }
0x6c: {  	v45 =	vld [tilespmem:s21+$0x100];
	v33 =	vadd.f32 v37, v40;
	v37 =	vmul.f32 v54, v20;
	v38 =	vadd.f32 v38, v39  }
0x6d: {  	v46 =	vld [tilespmem:s1+$0x180];
	v36 =	vadd.f32 v42, v36  }
0x6e: {  	v63 =	vmul.f32 v58, v21;
	v48 =	vld [tilespmem:s1+$0x100];
	v37 =	vadd.f32 v37, v38  }
0x6f: {  	v32 =	vadd.f32 v41, v36;
	v35 =	vmul.f32 v49, v16;
	v57 =	vmul.f32 v43, v17;
	v50 =	vld [tilespmem:s22+$0x100]  }
0x70: {  	v36 =	vmul.f32 v52, v16;
	v51 =	vmul.f32 v59, v22;
	v52 =	vld [tilespmem:s21+$0x180];
	v37 =	vadd.f32 v63, v37  }
0x71: {  	v61 =	vmul.f32 v55, v17;
	v49 =	vmul.f32 v44, v16;
	v55 =	vld [tilespmem:s22+$0x180]  }
0x72: {  	s8 =	sshll.u32 s11, $0x5;
	v42 =	vmul.f32 v60, v17;
	v59 =	vld [tilespmem:s22+$0x200];
	v53 =	vmul.f32 v62, v23;
	v37 =	vadd.f32 v51, v37  }
0x73: {  	s0 =	sand.u32 $0x3FFFFF00, s8;
	v35 =	vadd.f32 v57, v35;
	v57 =	vld [tilespmem:s1+$0x200]  }
0x74: {  	[dreg:$0x10] =	wrdreg s2;
	s9 =	sadd.s32 $0x4800, s19;
	s0 =	sadd.s32 $0x10800, s0;
	v42 =	vadd.f32 v42, v49;
	v49 =	vld [tilespmem:s21+$0x280];
	v37 =	vadd.f32 v53, v37  }
0x75: {  	s10 =	sadd.s32 $0x4880, s19;
	s16 =	sadd.s32 $0x4900, s19;
	s6 =	sor.u32 s3, s0;
	v56 =	vld [tilespmem:s21+$0x200]  }
0x76: {  	s2 =	sadd.s32 $0x4980, s19;
	s31 =	sor.u32 s20, s9;
	s7 =	sor.u32 s3, s9;
	v62 =	vmul.f32 v55, v19;
	v55 =	vld [tilespmem:s22+$0x280];
	[tilespmem:s6+$0x0] =	vst v37  }
0x77: {  	s13 =	sor.u32 s3, s10;
	s24 =	sor.u32 s4, s9;
	s12 =	sor.u32 s4, s10;
	v36 =	vadd.f32 v61, v36;
	v58 =	vmul.f32 v50, v18;
	v61 =	vld [tilespmem:s7+$0x0]  }
0x78: {  	s28 =	sor.u32 s17, s9;
	s25 =	sor.u32 s3, s16;
	s26 =	sor.u32 s20, s16;
	v63 =	vld [tilespmem:s13+$0x0]  }
0x79: {  	s5 =	sor.u32 s4, s16;
	s8 =	sor.u32 s17, s16;
	[smem:$0x7F3] =	sst s24;
	v39 =	vmul.f32 v48, v18;
	v40 =	vadd.f32 v58, v42;
	v58 =	vld [tilespmem:s21+$0x300]  }
0x7a: {  	s16 =	sor.u32 s20, s2;
	[dreg:$0x1c] =	wrdreg s26;
	s9 =	sor.u32 s17, s10;
	v54 =	vmul.f32 v45, v18;
	v41 =	vmul.f32 v52, v19;
	v52 =	vld [tilespmem:s25+$0x0]  }
0x7b: {  	[dreg:$0x18] =	wrdreg s8;
	v60 =	vmul.f32 v46, v19;
	v36 =	vadd.f32 v39, v36;
	v53 =	vld [tilespmem:s1+$0x280];
	s7 =	sor.u32 s20, s10;
	s10 =	sor.u32 s3, s2  }
0x7c: {  	[dreg:$0x16] =	wrdreg s16;
	s24 =	sadd.s32 $0x4A00, s19;
	s15 =	sor.u32 s20, s0;
	v35 =	vadd.f32 v54, v35;
	v54 =	vld [tilespmem:s10+$0x0]  }
0x7d: {  	s14 =	sor.u32 s4, s0;
	s18 =	sor.u32 s17, s0;
	s0 =	sor.u32 s3, s24;
	v36 =	vadd.f32 v60, v36;
	v60 =	vld [tilespmem:s1+$0x300];
	v42 =	vmul.f32 v61, v24;
	v43 =	vmul.f32 v63, v25  }
0x7e: {  	s26 =	sor.u32 s17, s2;
	v50 =	vmul.f32 v57, v20;
	s25 =	sor.u32 s4, s2;
	s2 =	sadd.s32 $0x4A80, s19;
	v57 =	vld [tilespmem:s0+$0x0]  }
0x7f: {  	s8 =	sor.u32 s20, s24;
	[dreg:$0x19] =	wrdreg s26;
	v51 =	vadd.f32 v62, v40;
	v62 =	vld [tilespmem:s22+$0x300];
	s26 =	sor.u32 s3, s2;
	v40 =	vmul.f32 v52, v26;
	v42 =	vadd.f32 v43, v42  }
0x80: {  	s16 =	sor.u32 s4, s24;
	v35 =	vadd.f32 v41, v35;
	v39 =	vmul.f32 v59, v20;
	v48 =	vmul.f32 v56, v20;
	s10 =	sor.u32 s17, s24;
	s24 =	sadd.s32 $0x4B00, s19;
	v59 =	vld [tilespmem:s26+$0x0]  }
0x81: {  	[dreg:$0x14] =	wrdreg s25;
	v41 =	vmul.f32 v53, v21;
	s25 =	sor.u32 s3, s24;
	v53 =	vld [tilespmem:s1+$0x380];
	v37 =	vmul.f32 v54, v27;
	v40 =	vadd.f32 v40, v42  }
0x82: {  	v56 =	vmul.f32 v49, v21;
	v36 =	vadd.f32 v50, v36;
	s19 =	sadd.s32 $0x4B80, s19;
	v61 =	vld [tilespmem:s25+$0x0]  }
0x83: {  	v35 =	vadd.f32 v48, v35;
	v50 =	vld [tilespmem:s21+$0x380];
	s3 =	sor.u32 s3, s19;
	v63 =	vmul.f32 v57, v28;
	v37 =	vadd.f32 v37, v40  }
0x84: {  	v48 =	vmul.f32 v58, v22;
	v49 =	vld [tilespmem:s3+$0x0];
	s3 =	rddreg [dreg:$0x11];
	v36 =	vadd.f32 v41, v36;
	v52 =	vmul.f32 v60, v22  }
0x85: {  	v38 =	vadd.f32 v39, v51;
	v46 =	vld [tilespmem:s3+$0x0];
	v51 =	vmul.f32 v59, v29;
	v37 =	vadd.f32 v63, v37  }
0x86: {  	v35 =	vadd.f32 v56, v35;
	v39 =	vmul.f32 v55, v21;
	v57 =	vld [tilespmem:s29+$0x0];
	v36 =	vadd.f32 v52, v36  }
0x87: {  	[dreg:$0x1e] =	wrdreg s5;
	v60 =	vld [tilespmem:s30+$0x0];
	v44 =	vmul.f32 v53, v23;
	v55 =	vmul.f32 v61, v30;
	v37 =	vadd.f32 v51, v37  }
0x88: {  	v35 =	vadd.f32 v48, v35;
	v38 =	vadd.f32 v39, v38;
	s5 =	sor.u32 s20, s2;
	s13 =	sor.u32 s4, s2;
	s25 =	rddreg [dreg:$0x13];
	v54 =	vld [tilespmem:s22+$0x380];
	v59 =	vmul.f32 v50, v23  }
0x89: {  	s0 =	sor.u32 s17, s2;
	s2 =	sor.u32 s4, s24;
	s1 =	rddreg [dreg:$0x12];
	v58 =	vld [tilespmem:s25+$0x0];
	v39 =	vmul.f32 v49, v31;
	v36 =	vadd.f32 v44, v36;
	v37 =	vadd.f32 v55, v37  }
0x8a: {  	v56 =	vmul.f32 v62, v22;
	s30 =	smov.u32 s2;
	s2 =	rddreg [dreg:$0x10];
	v35 =	vadd.f32 v59, v35;
	v61 =	vld [tilespmem:s1+$0x0]  }
0x8b: {  	[tilespmem:s14+$0x0] =	vst v36;
	v63 =	vld [tilespmem:s2+$0x0];
	v37 =	vadd.f32 v39, v37  }
0x8c: {  	v38 =	vadd.f32 v56, v38;
	v56 =	vld [tilespmem:s12+$0x0];
	[tilespmem:s15+$0x0] =	vst v35  }
0x8d: {  	v62 =	vmul.f32 v54, v23;
	v52 =	vld [tilespmem:s7+$0x0];
	[tilespmem:s6+$0x80] =	vst v37;
	s6 =	rddreg [dreg:$0xc]  }
0x8e: {  	s26 =	sor.u32 s20, s24;
	v48 =	vmul.f32 v58, v30;
	s7 =	sld [smem:$0x7F3];
	v49 =	vld [tilespmem:s6+$0x0]  }
0x8f: {  	s24 =	sor.u32 s17, s24;
	s20 =	sor.u32 s20, s19;
	v42 =	vmul.f32 v57, v29;
	s12 =	rddreg [dreg:$0x1c];
	v47 =	vadd.f32 v62, v38;
	v50 =	vld [tilespmem:s31+$0x0]  }
0x90: {  	s4 =	sor.u32 s4, s19;
	s17 =	sor.u32 s17, s19;
	s19 =	rddreg [dreg:$0x1e];
	v32 =	vadd.f32 v48, v32;
	v62 =	vld [tilespmem:s12+$0x0];
	v51 =	vmul.f32 v60, v30;
	v55 =	vmul.f32 v63, v31  }
0x91: {  	s21 =	smov.u32 s24;
	s24 =	rddreg [dreg:$0x18];
	v34 =	vadd.f32 v42, v34;
	v53 =	vmul.f32 v61, v30;
	v54 =	vld [tilespmem:s7+$0x0];
	[tilespmem:s18+$0x0] =	vst v47  }
0x92: {  	s29 =	smov.u32 s0;
	s0 =	smov.u32 s17;
	s17 =	rddreg [dreg:$0xb];
	v33 =	vadd.f32 v51, v33;
	v32 =	vadd.f32 v55, v32;
	v37 =	vmul.f32 v46, v31;
	v57 =	vld [tilespmem:s28+$0x0]  }
0x93: {  	p1 =	slt.u32 s11, $0x7C;
	s25 =	rddreg [dreg:$0x7];
	v34 =	vadd.f32 v53, v34;
	v60 =	vld [tilespmem:s9+$0x0];
	v58 =	vmul.f32 v49, v31  }
.Ltmp0:
0x94: {  	s22 =	smov.u32 s26;
	s26 =	rddreg [dreg:$0x16];
	[tilespmem:s17+$0x80] =	vst v32;
	v32 =	vld [tilespmem:s19+$0x0];
	v33 =	vadd.f32 v37, v33;
	(pc) =	sbr.rel @p1 .LBB2_3-.Ltmp0, $4  }
0x95: {  	s2 =	smov.u32 s20;
	s20 =	rddreg [dreg:$0x8];
	v59 =	vmul.f32 v50, v24;
	v61 =	vmul.f32 v52, v25;
	v35 =	vld [tilespmem:s24+$0x0];
	v34 =	vadd.f32 v58, v34  }
0x96: {  	v63 =	vmul.f32 v56, v25;
	v38 =	vmul.f32 v54, v24;
	v36 =	vld [tilespmem:s26+$0x0];
	s28 =	rddreg [dreg:$0x14];
	[tilespmem:s20+$0x80] =	vst v33  }
0x97: {  	s1 =	smov.u32 s4;
	s31 =	rddreg [dreg:$0x19];
	v40 =	vmul.f32 v62, v26;
	v37 =	vadd.f32 v61, v59;
	v33 =	vld [tilespmem:s28+$0x0];
	[tilespmem:s25+$0x80] =	vst v34  }
0x98: {  	s17 =	smov.u32 s15;
	s19 =	smov.u32 s14;
	v38 =	vadd.f32 v63, v38;
	s20 =	smov.u32 s18;
	v39 =	vmul.f32 v57, v24;
	v41 =	vmul.f32 v60, v25;
	v34 =	vld [tilespmem:s31+$0x0]  }
0x99: {  	v16 =	vld [tilespmem:s8+$0x0]  }
0x9a: {  	v17 =	vld [tilespmem:s16+$0x0]  }
0x9b: {  	v18 =	vld [tilespmem:s10+$0x0]  }
0x9c: {  	v19 =	vld [tilespmem:s5+$0x0]  }
0x9d: {  	v20 =	vmul.f32 v32, v26;
	v22 =	vld [tilespmem:s13+$0x0];
	v23 =	vadd.f32 v40, v37  }
0x9e: {  	v52 =	vld [tilespmem:s22+$0x0];
	v21 =	vadd.f32 v41, v39;
	v24 =	vmul.f32 v35, v26;
	v25 =	vmul.f32 v36, v27  }
0x9f: {  	v26 =	vld [tilespmem:s29+$0x0];
	v20 =	vadd.f32 v20, v38;
	v51 =	vmul.f32 v33, v27  }
0xa0: {  	v21 =	vadd.f32 v24, v21;
	v23 =	vadd.f32 v25, v23;
	v24 =	vmul.f32 v34, v27;
	v25 =	vld [tilespmem:s30+$0x0]  }
0xa1: {  	v27 =	vld [tilespmem:s21+$0x0];
	v16 =	vmul.f32 v16, v28;
	v20 =	vadd.f32 v51, v20;
	v17 =	vmul.f32 v17, v28  }
0xa2: {  	v18 =	vmul.f32 v18, v28;
	v21 =	vadd.f32 v24, v21;
	v24 =	vld [tilespmem:s2+$0x0]  }
0xa3: {  	v19 =	vmul.f32 v19, v29;
	v16 =	vadd.f32 v16, v23;
	v17 =	vadd.f32 v17, v20;
	v20 =	vld [tilespmem:s1+$0x0]  }
0xa4: {  	v22 =	vmul.f32 v22, v29;
	v23 =	vld [tilespmem:s0+$0x0];
	v18 =	vadd.f32 v18, v21;
	v21 =	vmul.f32 v26, v29  }
0xa5: {  	v16 =	vadd.f32 v19, v16;
	v19 =	vmul.f32 v52, v30  }
0xa6: {  	v17 =	vadd.f32 v22, v17;
	v22 =	vmul.f32 v25, v30;
	v18 =	vadd.f32 v21, v18  }
0xa7: {  	v16 =	vadd.f32 v19, v16;
	v19 =	vmul.f32 v27, v30;
	v21 =	vmul.f32 v24, v31  }
0xa8: {  	v17 =	vadd.f32 v22, v17;
	v20 =	vmul.f32 v20, v31  }
0xa9: {  	v18 =	vadd.f32 v19, v18;
	v16 =	vadd.f32 v21, v16;
	v19 =	vmul.f32 v23, v31  }
0xaa: {  	v17 =	vadd.f32 v20, v17  }
0xab: {  	[tilespmem:s17+$0x80] =	vst v16;
	v16 =	vadd.f32 v19, v18  }
0xac: {  	s16 =	sld [smem:$0x7F6];
	[tilespmem:s19+$0x80] =	vst v17  }
0xad: {  	[tilespmem:s20+$0x80] =	vst v16  }
0xae: {  	s1 =	sld [smem:$0x7FD]  }
0xaf: {  	p1 =	seq.s32 s16, $0x3F  }
0xb0: {  	s9 =	sld [smem:$0x7FA];
	s7 =	sshll.u32 s16, $0xA;
	s0 =	sshll.u32 @!p1 s16, $0xD  }
0xb1: {  	s2 =	simm.s32 @!p1 $0x800;
	s0 =	sadd.s32 @!p1 s1, s0;
	s1 =	simm.s32 @!p1 $0x0  }
0xb2: {  	[tilespmem:s2], [sflag:$0x1] =	stream.linear.gather @!p1 [hbm4b:s0+s1], $0x8000, $0x38;
	[tilespmem:$0x12800] =	vst v63  }
0xb3: {  	s10 =	simm.s32 $0x100;
	s8 =	sshll.u32 s16, $0x6;
	s0 =	sand.u32 $0xF800, s7  }
0xb4: {  	s11 =	simm.s32 $0x400;
	s1 =	sand.u32 $0x40, s8;
	s0 =	sadd.s32 s0, s9  }
0xb5: {  	s3 =	simm.s32 $0x10800;
	s12 =	simm.s32 $0x2;
	s0 =	sadd.s32 s1, s0  }
0xb6: {  	[hbm4b:s0+s10] =	stream.strided.scatter [tilespmem:s3], [sflag:$0x3], $0x1000, s11, s10, $0x38;
	[tilespmem:$0x12800] =	vst v63  }
0xb7: {  	_ =	swait.ge [sflag:s12], $0x8000  }
0xb8: {  	[sflag:s12] =	ssyncset.done $0x0  }
0xb9: {  	s0 =	simm.s32 @!p0 $0x4;
	[sflag:s12] =	ssyncadd.s32 $0xFFFF8000  }
0xba: {  	s13 =	simm.s32 $0x0;
	_ =	swait.ge @!p0 [sflag:s0], $0x1000  }
0xbb: {  	s23 =	simm.s32 $0x0;
	s17 =	sand.u32 $0x3FFFFC00, s13;
	[sflag:s0] =	ssyncset.done @!p0 $0x0  }
0xbc: {  	s4 =	sadd.s32 $0x8800, s17;
	[sflag:s0] =	ssyncadd.s32 @!p0 $0xFFFFF000;
	s0 =	sand.u32 $0x40, s23  }
0xbd: {  	s11 =	sor.u32 s0, s4  }
0xbe: {  	v25 =	vld [tilespmem:s11+$0x0]  }
0xbf: {  	v26 =	vld [tilespmem:s11+$0x80]  }
0xc0: {  	v56 =	vld [tilespmem:s11+$0x100]  }
0xc1: {  	s14 =	sld [smem:$0x7F4];
	v59 =	vld [tilespmem:s11+$0x180]  }
0xc2: {  	v62 =	vld [tilespmem:s11+$0x200]  }
0xc3: {  	s26 =	sor.u32 $0x30, s0;
	v46 =	vld [tilespmem:s11+$0x280]  }
0xc4: {  	s15 =	sshll.u32 s14, $0x4;
	s6 =	sor.u32 s26, s4;
	v50 =	vld [tilespmem:s11+$0x300]  }
0xc5: {  	s25 =	sand.u32 $0x3FFFFFF0, s15;
	v19 =	vld [tilespmem:s6+$0x0]  }
0xc6: {  	v31 =	vld [tilespmem:s25+$0x0]  }
0xc7: {  	v20 =	vld [tilespmem:s6+$0x80]  }
0xc8: {  	s1 =	sor.u32 $0x10, s0;
	v21 =	vld [tilespmem:s6+$0x100]  }
0xc9: {  	s28 =	sor.u32 s1, s4;
	v22 =	vld [tilespmem:s6+$0x180]  }
0xca: {  	v27 =	vld [tilespmem:s28+$0x0]  }
0xcb: {  	v24 =	vld [tilespmem:s6+$0x200];
	v16 =	vperm.xlane v31, v0;
	v17 =	vperm.xlane v31, v1  }
0xcc: {  	s3 =	sor.u32 $0x20, s0;
	v28 =	vld [tilespmem:s28+$0x80];
	v18 =	vperm.xlane v31, v2  }
0xcd: {  	s12 =	sor.u32 s3, s4;
	v29 =	vld [tilespmem:s6+$0x280];
	v23 =	vmul.f32 v19, v16;
	v20 =	vmul.f32 v20, v17  }
0xce: {  	v30 =	vld [tilespmem:s12+$0x0]  }
0xcf: {  	v53 =	vld [tilespmem:s6+$0x300];
	v19 =	vperm.xlane v31, v3;
	v21 =	vmul.f32 v21, v18;
	v23 =	vadd.f32 v20, v23  }
0xd0: {  	v54 =	vld [tilespmem:s12+$0x80];
	v45 =	vmul.f32 v25, v16  }
0xd1: {  	v55 =	vld [tilespmem:s6+$0x380];
	v20 =	vperm.xlane v31, v4;
	v22 =	vmul.f32 v22, v19;
	v23 =	vadd.f32 v21, v23  }
0xd2: {  	v57 =	vld [tilespmem:s28+$0x100];
	v26 =	vmul.f32 v26, v17;
	v27 =	vmul.f32 v27, v16  }
0xd3: {  	v58 =	vld [tilespmem:s12+$0x100];
	v21 =	vperm.xlane v31, v5;
	v24 =	vmul.f32 v24, v20;
	v23 =	vadd.f32 v22, v23  }
0xd4: {  	v60 =	vld [tilespmem:s28+$0x180];
	v28 =	vmul.f32 v28, v17;
	v30 =	vmul.f32 v30, v16  }
0xd5: {  	v61 =	vld [tilespmem:s12+$0x180];
	v22 =	vperm.xlane v31, v6;
	v29 =	vmul.f32 v29, v21;
	v24 =	vadd.f32 v24, v23  }
0xd6: {  	v63 =	vld [tilespmem:s28+$0x200];
	v33 =	vmul.f32 v54, v17;
	v25 =	vperm.xlane v31, v9  }
0xd7: {  	v42 =	vld [tilespmem:s12+$0x200];
	v23 =	vperm.xlane v31, v7;
	v24 =	vadd.f32 v29, v24;
	v29 =	vmul.f32 v53, v22  }
0xd8: {  	v48 =	vld [tilespmem:s28+$0x280];
	v35 =	vmul.f32 v56, v18;
	v47 =	vmul.f32 v58, v18;
	v26 =	vadd.f32 v26, v45  }
0xd9: {  	s31 =	simm.s32 $0x0;
	v49 =	vld [tilespmem:s12+$0x280];
	v27 =	vadd.f32 v28, v27;
	v24 =	vadd.f32 v29, v24;
	v29 =	vmul.f32 v55, v23  }
0xda: {  	s4 =	sand.u32 $0x3FFFFF00, s31;
	v28 =	vadd.f32 v33, v30;
	v30 =	vmul.f32 v57, v18;
	v32 =	vmul.f32 v59, v19;
	v57 =	vld [tilespmem:s12+$0x300]  }
0xdb: {  	s6 =	sadd.s32 $0x11800, s4;
	v34 =	vmul.f32 v61, v19;
	v59 =	vld [tilespmem:s28+$0x380];
	v35 =	vadd.f32 v35, v26;
	v29 =	vadd.f32 v29, v24  }
0xdc: {  	s18 =	sadd.s32 $0xC800, s17;
	s4 =	sor.u32 s26, s6;
	v27 =	vadd.f32 v30, v27;
	v30 =	vmul.f32 v60, v19;
	v52 =	vmul.f32 v63, v20;
	v63 =	vld [tilespmem:s12+$0x380]  }
0xdd: {  	s7 =	sadd.s32 $0xC880, s17;
	s9 =	sor.u32 s26, s18;
	v26 =	vperm.xlane v31, v10;
	v28 =	vadd.f32 v47, v28;
	v51 =	vmul.f32 v62, v20;
	v53 =	vld [tilespmem:s28+$0x300];
	[tilespmem:s4+$0x0] =	vst v29  }
0xde: {  	s19 =	sor.u32 s26, s7;
	v54 =	vmul.f32 v42, v20;
	v32 =	vadd.f32 v32, v35;
	v30 =	vadd.f32 v30, v27;
	v29 =	vld [tilespmem:s9+$0x0]  }
0xdf: {  	v27 =	vperm.xlane v31, v11;
	v28 =	vadd.f32 v34, v28;
	v56 =	vmul.f32 v46, v21;
	s9 =	sadd.s32 $0xC900, s17;
	v43 =	vld [tilespmem:s19+$0x0]  }
0xe0: {  	v58 =	vmul.f32 v48, v21;
	v61 =	vmul.f32 v49, v21;
	v55 =	vld [tilespmem:s11+$0x380];
	s20 =	sor.u32 s26, s9  }
0xe1: {  	v32 =	vadd.f32 v51, v32;
	v28 =	vadd.f32 v54, v28;
	v35 =	vmul.f32 v50, v22;
	s11 =	sadd.s32 $0xC980, s17;
	v33 =	vld [tilespmem:s20+$0x0]  }
0xe2: {  	v30 =	vadd.f32 v52, v30;
	v39 =	vmul.f32 v57, v22;
	s21 =	sor.u32 s26, s11;
	v24 =	vperm.xlane v31, v8  }
0xe3: {  	s10 =	sadd.s32 $0xCA00, s17;
	v32 =	vadd.f32 v56, v32;
	v34 =	vadd.f32 v61, v28;
	v37 =	vmul.f32 v59, v23;
	v60 =	vld [tilespmem:s21+$0x0]  }
0xe4: {  	s22 =	sor.u32 s26, s10;
	v30 =	vadd.f32 v58, v30;
	v29 =	vmul.f32 v29, v24;
	v43 =	vmul.f32 v43, v25  }
0xe5: {  	s14 =	sadd.s32 $0xCA80, s17;
	v38 =	vmul.f32 v63, v23;
	v34 =	vadd.f32 v39, v34;
	v62 =	vmul.f32 v53, v22;
	v46 =	vld [tilespmem:s22+$0x0]  }
0xe6: {  	s24 =	sor.u32 s26, s14;
	s12 =	sadd.s32 $0xCB00, s17;
	v32 =	vadd.f32 v35, v32;
	v29 =	vadd.f32 v43, v29;
	v33 =	vmul.f32 v33, v26  }
0xe7: {  	s13 =	sadd.s32 $0xCB80, s17;
	s15 =	sor.u32 s26, s12;
	v34 =	vadd.f32 v38, v34;
	v45 =	vmul.f32 v55, v23;
	v30 =	vadd.f32 v62, v30;
	v47 =	vld [tilespmem:s24+$0x0]  }
0xe8: {  	s2 =	sor.u32 s26, s13;
	v28 =	vperm.xlane v31, v12;
	v49 =	vld [tilespmem:s15+$0x0];
	s20 =	sor.u32 s3, s6;
	v48 =	vmul.f32 v60, v27;
	v33 =	vadd.f32 v33, v29  }
0xe9: {  	s8 =	sor.u32 s3, s18;
	v50 =	vld [tilespmem:s2+$0x0];
	v32 =	vadd.f32 v45, v32;
	v30 =	vadd.f32 v37, v30;
	[tilespmem:s20+$0x0] =	vst v34  }
0xea: {  	s17 =	sor.u32 s0, s6;
	s22 =	sor.u32 s3, s9;
	v58 =	vld [tilespmem:s8+$0x0];
	v53 =	vmul.f32 v46, v28;
	v29 =	vperm.xlane v31, v13;
	v52 =	vadd.f32 v48, v33  }
0xeb: {  	s25 =	sor.u32 s0, s18;
	s19 =	sor.u32 s1, s6;
	[tilespmem:s17+$0x0] =	vst v32;
	v35 =	vld [tilespmem:s22+$0x0]  }
0xec: {  	s26 =	sor.u32 s0, s7;
	[tilespmem:s19+$0x0] =	vst v30;
	v30 =	vperm.xlane v31, v14;
	v51 =	vld [tilespmem:s25+$0x0];
	v56 =	vmul.f32 v47, v29;
	v32 =	vadd.f32 v53, v52  }
0xed: {  	s28 =	sor.u32 s1, s18;
	v54 =	vld [tilespmem:s26+$0x0]  }
0xee: {  	s31 =	sor.u32 s1, s7;
	v55 =	vld [tilespmem:s28+$0x0];
	v59 =	vmul.f32 v49, v30;
	v31 =	vperm.xlane v31, v15;
	v32 =	vadd.f32 v56, v32  }
0xef: {  	s5 =	sor.u32 s0, s14;
	s18 =	sor.u32 s0, s9;
	v57 =	vld [tilespmem:s31+$0x0]  }
0xf0: {  	s29 =	sor.u32 s1, s12;
	s30 =	sor.u32 s3, s12;
	s15 =	sor.u32 s3, s7;
	v61 =	vld [tilespmem:s18+$0x0];
	v62 =	vmul.f32 v50, v31;
	v33 =	vadd.f32 v59, v32  }
0xf1: {  	s24 =	sor.u32 s0, s11;
	s21 =	sor.u32 s1, s9;
	v60 =	vld [tilespmem:s15+$0x0];
	s26 =	sor.u32 s3, s14  }
0xf2: {  	s2 =	sor.u32 s1, s13;
	s28 =	sor.u32 s0, s12;
	v32 =	vld [tilespmem:s21+$0x0];
	[dreg:$0x5] =	wrdreg s26;
	v41 =	vadd.f32 v62, v33  }
0xf3: {  	s8 =	sor.u32 s0, s10;
	s22 =	sor.u32 s0, s13;
	v37 =	vmul.f32 v51, v24;
	v63 =	vmul.f32 v54, v25;
	[dreg:$0x4] =	wrdreg s28  }
0xf4: {  	s25 =	sor.u32 s1, s11;
	s11 =	sor.u32 s3, s11;
	s31 =	sadd.s32 $0x1, s16;
	v38 =	vmul.f32 v55, v24;
	v44 =	vmul.f32 v57, v25;
	v36 =	vld [tilespmem:s24+$0x0];
	[tilespmem:s4+$0x80] =	vst v41  }
0xf5: {  	s15 =	sor.u32 s1, s10;
	s10 =	sor.u32 s3, s10;
	v39 =	vmul.f32 v58, v24;
	v40 =	vmul.f32 v61, v26;
	v33 =	vld [tilespmem:s25+$0x0];
	[smem:$0x7F2] =	sst s31  }
0xf6: {  	v37 =	vadd.f32 v63, v37;
	v38 =	vadd.f32 v44, v38;
	s21 =	sor.u32 s1, s14;
	s1 =	sor.u32 s3, s13;
	v41 =	vmul.f32 v60, v25;
	v34 =	vld [tilespmem:s11+$0x0];
	s11 =	simm.s32 $0x0  }
.LBB2_5:
0xf7: {  	s11 =	sadd.s32 $0x4, s11;
	v42 =	vld [tilespmem:s8+$0x0]  }
0xf8: {  	v62 =	vld [tilespmem:s15+$0x0];
	s23 =	sadd.s32 $0x40, s23;
	s0 =	sshll.u32 s11, $0x7  }
0xf9: {  	[dreg:$0x6] =	wrdreg s20;
	v63 =	vld [tilespmem:s10+$0x0];
	s20 =	sand.u32 $0x40, s23;
	s4 =	sand.u32 $0x3FFFFC00, s0  }
0xfa: {  	v45 =	vld [tilespmem:s5+$0x0];
	s13 =	sor.u32 $0x30, s20;
	s0 =	sadd.s32 $0x8800, s4  }
0xfb: {  	v46 =	vld [tilespmem:s21+$0x0];
	s6 =	sor.u32 s13, s0  }
0xfc: {  	v47 =	vld [tilespmem:s6+$0x0]  }
0xfd: {  	[dreg:$0xf] =	wrdreg s22;
	s22 =	sor.u32 s20, s0;
	v48 =	vld [tilespmem:s6+$0x80]  }
0xfe: {  	v49 =	vld [tilespmem:s22+$0x0]  }
0xff: {  	v50 =	vld [tilespmem:s6+$0x100]  }
0x100: {  	[dreg:$0x9] =	wrdreg s19;
	s19 =	sor.u32 $0x10, s20;
	v43 =	vld [tilespmem:s22+$0x80]  }
0x101: {  	s3 =	sor.u32 s19, s0;
	v51 =	vld [tilespmem:s6+$0x180]  }
0x102: {  	v39 =	vadd.f32 v41, v39;
	v32 =	vmul.f32 v32, v26;
	v52 =	vld [tilespmem:s3+$0x0]  }
0x103: {  	v37 =	vadd.f32 v40, v37;
	v35 =	vmul.f32 v35, v26;
	v36 =	vmul.f32 v36, v27;
	v54 =	vld [tilespmem:s6+$0x200]  }
0x104: {  	[dreg:$0xa] =	wrdreg s17;
	s17 =	sor.u32 $0x20, s20;
	v33 =	vmul.f32 v33, v27;
	v34 =	vmul.f32 v34, v27;
	v32 =	vadd.f32 v32, v38;
	v55 =	vld [tilespmem:s3+$0x80]  }
0x105: {  	[dreg:$0xd] =	wrdreg s1;
	s1 =	sor.u32 s17, s0;
	v35 =	vadd.f32 v35, v39;
	v58 =	vld [tilespmem:s6+$0x280];
	v39 =	vmul.f32 v47, v16;
	v53 =	vmul.f32 v48, v17  }
0x106: {  	v40 =	vmul.f32 v62, v28;
	v38 =	vmul.f32 v63, v28;
	v44 =	vld [tilespmem:s1+$0x0];
	v32 =	vadd.f32 v33, v32  }
0x107: {  	v59 =	vld [tilespmem:s6+$0x300];
	v34 =	vadd.f32 v34, v35;
	v56 =	vmul.f32 v50, v18;
	v39 =	vadd.f32 v53, v39  }
0x108: {  	v60 =	vld [tilespmem:s1+$0x80];
	v36 =	vadd.f32 v36, v37;
	v37 =	vmul.f32 v46, v29;
	v40 =	vadd.f32 v40, v32  }
0x109: {  	v62 =	vld [tilespmem:s6+$0x380];
	v34 =	vadd.f32 v38, v34;
	v38 =	vmul.f32 v51, v19;
	v39 =	vadd.f32 v56, v39  }
0x10a: {  	v42 =	vmul.f32 v42, v28;
	v41 =	vmul.f32 v45, v29;
	v45 =	vld [tilespmem:s22+$0x100]  }
0x10b: {  	v46 =	vld [tilespmem:s3+$0x180];
	v33 =	vadd.f32 v37, v40;
	v37 =	vmul.f32 v54, v20;
	v38 =	vadd.f32 v38, v39  }
0x10c: {  	v36 =	vadd.f32 v42, v36;
	v48 =	vld [tilespmem:s3+$0x100]  }
0x10d: {  	v35 =	vmul.f32 v49, v16;
	v63 =	vmul.f32 v58, v21;
	v50 =	vld [tilespmem:s1+$0x100];
	v37 =	vadd.f32 v37, v38  }
0x10e: {  	v32 =	vadd.f32 v41, v36;
	v57 =	vmul.f32 v43, v17;
	v36 =	vmul.f32 v52, v16;
	v52 =	vld [tilespmem:s22+$0x180]  }
0x10f: {  	v61 =	vmul.f32 v55, v17;
	v51 =	vmul.f32 v59, v22;
	v55 =	vld [tilespmem:s1+$0x180];
	v37 =	vadd.f32 v63, v37  }
0x110: {  	v49 =	vmul.f32 v44, v16;
	v42 =	vmul.f32 v60, v17;
	v59 =	vld [tilespmem:s1+$0x200]  }
0x111: {  	s7 =	sshll.u32 s11, $0x5;
	v35 =	vadd.f32 v57, v35;
	v53 =	vmul.f32 v62, v23;
	v57 =	vld [tilespmem:s3+$0x200];
	v37 =	vadd.f32 v51, v37  }
0x112: {  	s0 =	sand.u32 $0x3FFFFF00, s7;
	v42 =	vadd.f32 v42, v49;
	v49 =	vld [tilespmem:s22+$0x280]  }
0x113: {  	[dreg:$0xe] =	wrdreg s2;
	s0 =	sadd.s32 $0x11800, s0;
	v56 =	vld [tilespmem:s22+$0x200];
	v58 =	vmul.f32 v50, v18;
	v37 =	vadd.f32 v53, v37  }
0x114: {  	s8 =	sadd.s32 $0xC800, s4;
	s10 =	sadd.s32 $0xC880, s4;
	s12 =	sor.u32 s13, s0;
	v36 =	vadd.f32 v61, v36;
	v62 =	vmul.f32 v55, v19;
	v55 =	vld [tilespmem:s1+$0x280];
	v39 =	vmul.f32 v48, v18  }
0x115: {  	s21 =	sadd.s32 $0xC900, s4;
	s2 =	sadd.s32 $0xC980, s4;
	s6 =	sor.u32 s13, s8;
	v40 =	vadd.f32 v58, v42;
	v58 =	vld [tilespmem:s22+$0x300];
	[tilespmem:s12+$0x0] =	vst v37  }
0x116: {  	s31 =	sor.u32 s20, s8;
	s15 =	sor.u32 s13, s10;
	s9 =	sor.u32 s20, s10;
	v60 =	vmul.f32 v46, v19;
	v36 =	vadd.f32 v39, v36;
	v61 =	vld [tilespmem:s6+$0x0]  }
0x117: {  	s24 =	sor.u32 s19, s8;
	s7 =	sor.u32 s19, s10;
	s28 =	sor.u32 s17, s8;
	v63 =	vld [tilespmem:s15+$0x0]  }
0x118: {  	s25 =	sor.u32 s13, s21;
	s26 =	sor.u32 s20, s21;
	[smem:$0x7F1] =	sst s24;
	v36 =	vadd.f32 v60, v36;
	v60 =	vld [tilespmem:s3+$0x300]  }
0x119: {  	s5 =	sor.u32 s19, s21;
	[dreg:$0x1d] =	wrdreg s26;
	s8 =	sor.u32 s17, s21;
	v54 =	vmul.f32 v45, v18;
	v41 =	vmul.f32 v52, v19;
	v52 =	vld [tilespmem:s25+$0x0]  }
0x11a: {  	s21 =	sor.u32 s20, s2;
	v53 =	vld [tilespmem:s3+$0x280];
	s6 =	sor.u32 s17, s10;
	s10 =	sor.u32 s13, s2  }
0x11b: {  	s24 =	sadd.s32 $0xCA00, s4;
	s26 =	sor.u32 s17, s2;
	s16 =	sor.u32 s20, s0;
	v35 =	vadd.f32 v54, v35;
	v50 =	vmul.f32 v57, v20;
	v54 =	vld [tilespmem:s10+$0x0]  }
0x11c: {  	s14 =	sor.u32 s19, s0;
	s18 =	sor.u32 s17, s0;
	s0 =	sor.u32 s13, s24;
	v51 =	vadd.f32 v62, v40;
	v62 =	vld [tilespmem:s1+$0x300];
	v42 =	vmul.f32 v61, v24;
	v43 =	vmul.f32 v63, v25  }
0x11d: {  	[dreg:$0x1a] =	wrdreg s8;
	s25 =	sor.u32 s19, s2;
	s2 =	sadd.s32 $0xCA80, s4;
	v57 =	vld [tilespmem:s0+$0x0]  }
0x11e: {  	s8 =	sor.u32 s20, s24;
	[dreg:$0x1b] =	wrdreg s26;
	v36 =	vadd.f32 v50, v36;
	v50 =	vld [tilespmem:s22+$0x380];
	s26 =	sor.u32 s13, s2;
	v40 =	vmul.f32 v52, v26;
	v42 =	vadd.f32 v43, v42  }
0x11f: {  	v35 =	vadd.f32 v41, v35;
	v39 =	vmul.f32 v59, v20;
	v48 =	vmul.f32 v56, v20;
	s15 =	sor.u32 s19, s24;
	s10 =	sor.u32 s17, s24;
	s24 =	sadd.s32 $0xCB00, s4;
	v59 =	vld [tilespmem:s26+$0x0]  }
0x120: {  	[dreg:$0x15] =	wrdreg s25;
	v41 =	vmul.f32 v53, v21;
	s25 =	sor.u32 s13, s24;
	v53 =	vld [tilespmem:s3+$0x380];
	v37 =	vmul.f32 v54, v27;
	v40 =	vadd.f32 v40, v42  }
0x121: {  	v35 =	vadd.f32 v48, v35;
	s22 =	rddreg [dreg:$0x4];
	s4 =	sadd.s32 $0xCB80, s4;
	v61 =	vld [tilespmem:s25+$0x0]  }
0x122: {  	v48 =	vmul.f32 v58, v22;
	v58 =	vld [tilespmem:s22+$0x0];
	s13 =	sor.u32 s13, s4;
	v63 =	vmul.f32 v57, v28;
	v37 =	vadd.f32 v37, v40  }
0x123: {  	v56 =	vmul.f32 v49, v21;
	v49 =	vld [tilespmem:s13+$0x0];
	s13 =	rddreg [dreg:$0x5];
	v36 =	vadd.f32 v41, v36;
	v52 =	vmul.f32 v60, v22  }
0x124: {  	[dreg:$0x1f] =	wrdreg s5;
	v38 =	vadd.f32 v39, v51;
	v57 =	vld [tilespmem:s13+$0x0];
	v51 =	vmul.f32 v59, v29;
	v37 =	vadd.f32 v63, v37  }
0x125: {  	[dreg:$0x17] =	wrdreg s21;
	v35 =	vadd.f32 v56, v35;
	v39 =	vmul.f32 v55, v21;
	s5 =	sor.u32 s20, s2;
	s21 =	sor.u32 s19, s2;
	v60 =	vld [tilespmem:s29+$0x0];
	v36 =	vadd.f32 v52, v36  }
0x126: {  	s0 =	sor.u32 s17, s2;
	s26 =	sor.u32 s20, s24;
	s2 =	sor.u32 s19, s24;
	v54 =	vld [tilespmem:s1+$0x380];
	v44 =	vmul.f32 v53, v23;
	v55 =	vmul.f32 v61, v30;
	v37 =	vadd.f32 v51, v37  }
0x127: {  	v35 =	vadd.f32 v48, v35;
	v38 =	vadd.f32 v39, v38;
	s24 =	sor.u32 s17, s24;
	s29 =	smov.u32 s2;
	s2 =	rddreg [dreg:$0xe];
	v59 =	vmul.f32 v50, v23;
	v61 =	vld [tilespmem:s30+$0x0]  }
0x128: {  	s20 =	sor.u32 s20, s4;
	s19 =	sor.u32 s19, s4;
	s3 =	rddreg [dreg:$0xd];
	v46 =	vld [tilespmem:s2+$0x0];
	v39 =	vmul.f32 v49, v31;
	v36 =	vadd.f32 v44, v36;
	v37 =	vadd.f32 v55, v37  }
0x129: {  	v56 =	vmul.f32 v62, v22;
	s4 =	sor.u32 s17, s4;
	s17 =	smov.u32 s0;
	s1 =	rddreg [dreg:$0xf];
	v49 =	vld [tilespmem:s3+$0x0];
	v35 =	vadd.f32 v59, v35  }
0x12a: {  	[dreg:$0x5] =	wrdreg s17;
	v42 =	vmul.f32 v57, v29;
	[tilespmem:s14+$0x0] =	vst v36;
	v63 =	vld [tilespmem:s1+$0x0];
	v37 =	vadd.f32 v39, v37  }
0x12b: {  	v38 =	vadd.f32 v56, v38;
	s17 =	rddreg [dreg:$0xa];
	v62 =	vmul.f32 v54, v23;
	v56 =	vld [tilespmem:s7+$0x0];
	[tilespmem:s16+$0x0] =	vst v35  }
0x12c: {  	v34 =	vadd.f32 v42, v34;
	v50 =	vld [tilespmem:s31+$0x0];
	v53 =	vmul.f32 v61, v30;
	[tilespmem:s12+$0x80] =	vst v37;
	s12 =	sld [smem:$0x7F1]  }
0x12d: {  	v48 =	vmul.f32 v58, v30;
	s13 =	rddreg [dreg:$0x1d];
	v47 =	vadd.f32 v62, v38;
	v52 =	vld [tilespmem:s9+$0x0]  }
0x12e: {  	s22 =	smov.u32 s20;
	s20 =	rddreg [dreg:$0x9];
	s25 =	smov.u32 s26;
	v58 =	vmul.f32 v49, v31;
	v62 =	vld [tilespmem:s13+$0x0];
	v34 =	vadd.f32 v53, v34  }
0x12f: {  	v32 =	vadd.f32 v48, v32;
	[dreg:$0x4] =	wrdreg s25;
	v51 =	vmul.f32 v60, v30;
	[tilespmem:s18+$0x0] =	vst v47;
	v55 =	vmul.f32 v63, v31;
	v54 =	vld [tilespmem:s12+$0x0]  }
0x130: {  	s25 =	rddreg [dreg:$0x6];
	v57 =	vld [tilespmem:s28+$0x0];
	v34 =	vadd.f32 v58, v34  }
0x131: {  	p0 =	slt.u32 s11, $0x7C;
	s30 =	smov.u32 s24;
	s24 =	rddreg [dreg:$0x1a];
	v60 =	vld [tilespmem:s6+$0x0];
	v33 =	vadd.f32 v51, v33;
	v32 =	vadd.f32 v55, v32;
	v37 =	vmul.f32 v46, v31  }
.Ltmp1:
0x132: {  	s2 =	smov.u32 s19;
	s19 =	rddreg [dreg:$0x1f];
	v35 =	vld [tilespmem:s24+$0x0];
	[tilespmem:s25+$0x80] =	vst v34;
	(pc) =	sbr.rel @p0 .LBB2_5-.Ltmp1, $4  }
0x133: {  	s31 =	rddreg [dreg:$0x1b];
	v63 =	vmul.f32 v56, v25;
	v59 =	vmul.f32 v50, v24;
	[tilespmem:s17+$0x80] =	vst v32;
	v32 =	vld [tilespmem:s19+$0x0];
	v33 =	vadd.f32 v37, v33  }
0x134: {  	s26 =	rddreg [dreg:$0x17];
	v61 =	vmul.f32 v52, v25;
	v34 =	vld [tilespmem:s31+$0x0];
	v38 =	vmul.f32 v54, v24  }
0x135: {  	s1 =	smov.u32 s4;
	s28 =	rddreg [dreg:$0x15];
	v40 =	vmul.f32 v62, v26;
	v39 =	vmul.f32 v57, v24;
	v36 =	vld [tilespmem:s26+$0x0];
	[tilespmem:s20+$0x80] =	vst v33  }
0x136: {  	v41 =	vmul.f32 v60, v25;
	s17 =	smov.u32 s16;
	s19 =	smov.u32 s14;
	v37 =	vadd.f32 v61, v59;
	s20 =	smov.u32 s18;
	v33 =	vld [tilespmem:s28+$0x0];
	v38 =	vadd.f32 v63, v38  }
0x137: {  	v16 =	vld [tilespmem:s8+$0x0];
	_ =	sdelay $0x1  }
0x138: {  	v19 =	vld [tilespmem:s5+$0x0]  }
0x139: {  	v17 =	vld [tilespmem:s15+$0x0];
	s25 =	rddreg [dreg:$0x4];
	v23 =	vadd.f32 v40, v37;
	v25 =	vmul.f32 v36, v27  }
0x13a: {  	v51 =	vld [tilespmem:s25+$0x0]  }
0x13b: {  	v18 =	vld [tilespmem:s10+$0x0];
	v23 =	vadd.f32 v25, v23;
	v16 =	vmul.f32 v16, v28  }
0x13c: {  	v24 =	vmul.f32 v35, v26;
	v55 =	vld [tilespmem:s22+$0x0];
	v20 =	vmul.f32 v32, v26;
	v21 =	vadd.f32 v41, v39  }
0x13d: {  	v22 =	vld [tilespmem:s21+$0x0];
	s0 =	rddreg [dreg:$0x5];
	v52 =	vmul.f32 v34, v27;
	v19 =	vmul.f32 v19, v29;
	v16 =	vadd.f32 v16, v23  }
0x13e: {  	v49 =	vld [tilespmem:s0+$0x0];
	v20 =	vadd.f32 v20, v38;
	v21 =	vadd.f32 v24, v21;
	v50 =	vmul.f32 v33, v27  }
0x13f: {  	v53 =	vld [tilespmem:s29+$0x0];
	v59 =	vmul.f32 v51, v30;
	v16 =	vadd.f32 v19, v16  }
0x140: {  	v54 =	vld [tilespmem:s30+$0x0];
	v17 =	vmul.f32 v17, v28;
	v21 =	vadd.f32 v52, v21;
	v20 =	vadd.f32 v50, v20  }
0x141: {  	v56 =	vld [tilespmem:s2+$0x0];
	v18 =	vmul.f32 v18, v28;
	v62 =	vmul.f32 v55, v31;
	v16 =	vadd.f32 v59, v16  }
0x142: {  	v58 =	vld [tilespmem:s1+$0x0];
	v22 =	vmul.f32 v22, v29;
	v17 =	vadd.f32 v17, v20  }
0x143: {  	v57 =	vmul.f32 v49, v29;
	v18 =	vadd.f32 v18, v21;
	v16 =	vadd.f32 v62, v16  }
0x144: {  	v60 =	vmul.f32 v53, v30;
	v17 =	vadd.f32 v22, v17  }
0x145: {  	s26 =	sld [smem:$0x7F4];
	v61 =	vmul.f32 v54, v30;
	v18 =	vadd.f32 v57, v18;
	[tilespmem:s17+$0x80] =	vst v16  }
0x146: {  	v20 =	vmul.f32 v56, v31;
	v17 =	vadd.f32 v60, v17;
	s28 =	sld [smem:$0x7F5]  }
0x147: {  	v63 =	vmul.f32 v58, v31;
	v18 =	vadd.f32 v61, v18  }
0x148: {  	s0 =	sshll.u32 s26, $0x5;
	v17 =	vadd.f32 v20, v17  }
0x149: {  	s29 =	rddreg [dreg:$0x2];
	s0 =	sand.u32 $0x60, s0;
	v16 =	vadd.f32 v63, v18;
	s1 =	sshll.u32 s28, $0x8  }
0x14a: {  	s30 =	simm.s32 $0x100;
	s0 =	sadd.s32 s29, s0;
	[tilespmem:s19+$0x80] =	vst v17;
	s1 =	sand.u32 $0xFFFF800, s1  }
0x14b: {  	s31 =	simm.s32 $0x400;
	s3 =	simm.s32 $0x11800;
	[tilespmem:s20+$0x80] =	vst v16;
	s0 =	sadd.s32 s1, s0  }
0x14c: {  	[hbm4b:s0+s30] =	stream.strided.scatter [tilespmem:s3], [sflag:$0x4], $0x1000, s31, s30, $0x38;
	[tilespmem:$0x12800] =	vst v63  }
0x14d: {  	s3 =	sld [smem:$0x7F2];
	_ =	sdelay $0x2  }
0x14e: {  	p0 =	sne.s32 s3, $0x40  }
.Ltmp2:
0x14f: {  	_ = 	snop;
	(pc) =	sbr.rel @p0 .LBB2_2-.Ltmp2, $1  }
0x150: {  	_ =	sdelay $0x3  }
0x151: {  	s0 =	simm.s32 $0x3  }
0x152: {  	_ =	swait.ge [sflag:s0], $0x1000  }
0x153: {  	[sflag:s0] =	ssyncset.done $0x0  }
0x154: {  	s1 =	simm.s32 $0x4;
	[sflag:s0] =	ssyncadd.s32 $0xFFFFF000  }
0x155: {  	_ =	swait.ge [sflag:s1], $0x1000  }
0x156: {  	s2 =	sld [smem:$0x7F7]  }
0x157: {  	s31 =	sld [smem:$0x7FB];
	_ =	sdelay $0x1  }
0x158: {  	s2 =	sadd.s32 $0x1, s2  }
0x159: {  	p0 =	sne.s32 s2, s31  }
.Ltmp3:
0x15a: {  	_ = 	snop;
	(pc) =	sbr.rel @p0 .LBB2_1-.Ltmp3, $3  }
0x15b: {  	_ =	sdelay $0x1  }
0x15c: {  	[sflag:s1] =	ssyncset.done $0x0  }
0x15d: {  	[sflag:s1] =	ssyncadd.s32 $0xFFFFF000  }
0x15e: {  	_ =	sfence.sel $0x180000  }
0x15f: {  	[bflag:$0x0] =	sbarrier.arrive $0xFFFF  }
0x160: {  	_ =	strace $0x90000047  }
0x161: {  	s0 =	stileid.u32;
	[bflag:$0x2] =	sbarrier.arrive $0xFFFF  }
0x162: {  	p0 =	sne.s32 s0, $0x0;
	s0 =	rddreg [dreg:$0x3]  }
0x163: {  	s0 =	sadd.s32 @!p0 $0x100000, s0  }
0x164: {  	[sflag:s0] =	ssyncadd.tile.s32 @!p0 $0x1;
	_ =	shalt  }
.Lfunc_end2:
_tile_overlayer_lowered:
.L_overlay_start_2:
0x165: {  	(tag) =	ssettag $0x2  }
0x166: {  	s0 =	rddreg [dreg:$0x0];
	s2 =	stileid.u32  }
0x167: {  	s1 =	rddreg [dreg:$0x1];
	p0 =	sne.s32 s2, $0x0  }
0x168: {  	s3 =	rddreg [dreg:$0x2];
	[bflag:$0x3] =	sbarrier.arrive $0xFFFF;
	s2 =	simm.s32 @!p0 $0x1C05  }
0x169: {  	[timem:s3], [sflag:s2] =	dma.local @!p0 [hbm:s0], s1  }
0x16a: {  	s0 =	simm.s32 @!p0 $0x5  }
0x16b: {  	_ =	swait.ge @!p0 [sflag:s0], s1  }
0x16c: {  	s1 =	ssub.s32 @!p0 $0x0, s1;
	[sflag:s0] =	ssyncset.done @!p0 $0x0  }
0x16d: {  	[sflag:s0] =	ssyncadd.s32 @!p0 s1  }
0x16e: {  	[bflag:$0x3] =	sbarrier.arrive $0xFFFF  }
0x16f: {  	_ =	shalt  }

</sc_bundles>
